<compile_context>
chip_gen: v7x
topology: tpu7x:2x2x1
jax: 0.10.2.dev20260603
libtpu: 0.0.44.dev20260713+nightly
codegen_flags: <defaults>
</compile_context>

<pallas_src>
import functools

import jax
import jax.numpy as jnp
from jax import lax
from jax.experimental import pallas as pl
from jax.experimental.pallas import tpu as pltpu
from jax.experimental.pallas import tpu_sc as plsc

B = 16384
F = 26
V = 1000
D = 64
NUM = 13
H = 1024
FD = F * D
CT = FD // 128
NUMP = 128

NSPLIT = 4
BS = B // NSPLIT
BFS = BS * F

NC, NS = 2, 16
NW = NC * NS
CHUNK = 128
NCHUNKS = BFS // CHUNK
CH = NCHUNKS // NW

_sc_mesh = plsc.VectorSubcoreMesh(core_axis_name="c", subcore_axis_name="s")


@functools.partial(
    pl.kernel,
    out_type=jax.ShapeDtypeStruct((BFS, D), jnp.float32),
    mesh=_sc_mesh,
    scratch_types=[
        pltpu.VMEM((CH, CHUNK), jnp.int32),
        pltpu.VMEM((4, CHUNK, D), jnp.float32),
        pltpu.SemaphoreType.DMA,
        pltpu.SemaphoreType.DMA,
    ],
    compiler_params=pltpu.CompilerParams(use_tc_tiling_on_sc=False),
)
def _sc_gather(table_hbm, idx_hbm, out_hbm, idx_v, rows_v, gsem, osem):
    wid = lax.axis_index("s") * NC + lax.axis_index("c")
    pltpu.sync_copy(idx_hbm.at[pl.ds(wid * CH, CH)], idx_v)
    base_row = wid * CH * CHUNK

    def out_slice(j):
        return out_hbm.at[pl.ds(base_row + j * CHUNK, CHUNK)]

    def gather(j, buf):
        return pltpu.async_copy(table_hbm.at[idx_v.at[j]], rows_v.at[buf], gsem)

    gather(0, 0)
    gather(1, 1)

    def body(j, carry):
        buf = lax.rem(j, 4)
        pltpu.make_async_copy(table_hbm.at[idx_v.at[j]], rows_v.at[buf],
                              gsem).wait()
        pltpu.async_copy(rows_v.at[buf], out_slice(j), osem)
        @pl.when(j >= 2)
        def _():
            pltpu.make_async_copy(rows_v.at[lax.rem(j - 2, 4)],
                                  out_slice(j - 2), osem).wait()

        @pl.when(j + 2 < CH)
        def _():
            gather(j + 2, lax.rem(j + 2, 4))
        return carry

    lax.fori_loop(0, CH, body, 0)
    pltpu.make_async_copy(rows_v.at[(CH - 2) % 4], out_slice(CH - 2), osem).wait()
    pltpu.make_async_copy(rows_v.at[(CH - 1) % 4], out_slice(CH - 1), osem).wait()


def _mlp_body(emb_ref, num_ref, mean_ref, std_ref, w1e_ref, w1n_ref,
              b1_ref, w2_ref, b2_ref, out_ref):
    num = (num_ref[...] - mean_ref[...]) / std_ref[...]
    acc = jnp.dot(num, w1n_ref[...], preferred_element_type=jnp.float32)
    emb = jnp.concatenate(
        [emb_ref[c].astype(jnp.bfloat16) for c in range(CT)], axis=1)
    acc = acc + jnp.dot(emb, w1e_ref[...], preferred_element_type=jnp.float32)
    x = jnp.maximum(acc + b1_ref[...], 0.0)
    out_ref[...] = jnp.sum(x * w2_ref[...], axis=1, keepdims=True) + b2_ref[...]


BB = 512


def _mlp(emb3, num_p, mean_p, std_p, w1e, w1n, b1r, w2r, b2r):
    grid = (BS // BB,)
    return pl.pallas_call(
        _mlp_body,
        grid=grid,
        in_specs=[
            pl.BlockSpec((CT, BB, 128), lambda i: (0, i, 0)),
            pl.BlockSpec((BB, NUMP), lambda i: (i, 0)),
            pl.BlockSpec((1, NUMP), lambda i: (0, 0)),
            pl.BlockSpec((1, NUMP), lambda i: (0, 0)),
            pl.BlockSpec((FD, H), lambda i: (0, 0)),
            pl.BlockSpec((NUMP, H), lambda i: (0, 0)),
            pl.BlockSpec((1, H), lambda i: (0, 0)),
            pl.BlockSpec((1, H), lambda i: (0, 0)),
            pl.BlockSpec((1, 1), lambda i: (0, 0)),
        ],
        out_specs=pl.BlockSpec((BB, 1), lambda i: (i, 0)),
        out_shape=jax.ShapeDtypeStruct((BS, 1), jnp.float32),
    )(emb3, num_p, mean_p, std_p, w1e, w1n, b1r, w2r, b2r)


def kernel(cat_indices, numericals, emb_tables, norm_mean, norm_std, W1, b1, W2, b2):
    tab = emb_tables.reshape(F * V, D)
    offs = (jnp.arange(F, dtype=jnp.int32) * V)[None, :]
    fi = cat_indices.astype(jnp.int32) + offs
    fi = fi.reshape(NSPLIT, BS // 64, 64, CT, 2).transpose(0, 3, 1, 2, 4)
    fi = fi.reshape(NSPLIT, NCHUNKS, CHUNK)

    num_p = jnp.pad(numericals, ((0, 0), (0, NUMP - NUM)))
    mean_p = jnp.pad(norm_mean, (0, NUMP - NUM)).reshape(1, NUMP)
    std_p = jnp.pad(norm_std, (0, NUMP - NUM), constant_values=1.0).reshape(1, NUMP)
    w1e = W1[:FD].astype(jnp.bfloat16)
    w1n = jnp.pad(W1[FD:], ((0, NUMP - NUM), (0, 0)))
    b1r, w2r, b2r = b1.reshape(1, H), W2.reshape(1, H), b2.reshape(1, 1)

    outs = []
    for s in range(NSPLIT):
        flat = _sc_gather(tab, fi[s])
        emb3 = flat.reshape(CT, BS, 128)
        outs.append(_mlp(emb3, num_p[s * BS:(s + 1) * BS], mean_p, std_p,
                         w1e, w1n, b1r, w2r, b2r))
    return jnp.concatenate(outs, axis=0)

# --- scband reference (transcript-rebuilt; emitter-appended) ---
"""Pipeline reference for scband-tfcat-embs-classifier-3212635538242 (READ-ONLY COPY).

The authoritative reference and input builder live on the scoring server;
editing this copy changes nothing except your own understanding.
"""

import jax, jax.numpy as jnp
import numpy as np

B = 16384
F = 26      # categorical fields
V = 1000    # vocab per field
D = 64      # embedding dim
NUM = 13    # numeric fields
H = 1024    # hidden_size
FEAT = F * D + NUM  # 1677


def setup_inputs(seed: int = 0) -> dict:
    key = jax.random.key(seed)
    ks = jax.random.split(key, 9)
    cat_indices = jax.random.randint(ks[0], (B, F), 0, V, dtype=jnp.int64 if jax.config.jax_enable_x64 else jnp.int32)
    numericals = jax.random.normal(ks[1], (B, NUM), dtype=jnp.float32)
    emb_tables = jax.random.normal(ks[2], (F, V, D), dtype=jnp.float32) * 0.05
    norm_mean = jax.random.normal(ks[3], (NUM,), dtype=jnp.float32) * 0.1
    norm_std = jax.random.uniform(ks[4], (NUM,), dtype=jnp.float32, minval=0.5, maxval=1.5)
    W1 = jax.random.normal(ks[5], (FEAT, H), dtype=jnp.float32) * (1.0 / np.sqrt(FEAT))
    b1 = jnp.zeros((H,), dtype=jnp.float32)
    W2 = jax.random.normal(ks[6], (H, 1), dtype=jnp.float32) * (1.0 / np.sqrt(H))
    b2 = jnp.zeros((1,), dtype=jnp.float32)
    return {
        'cat_indices': cat_indices,
        'numericals': numericals,
        'emb_tables': emb_tables,
        'norm_mean': norm_mean,
        'norm_std': norm_std,
        'W1': W1, 'b1': b1, 'W2': W2, 'b2': b2,
    }


def reference(cat_indices, numericals, emb_tables, norm_mean, norm_std, W1, b1, W2, b2):
    # _encode_features: per-field embedding lookup (categorical encoding layers)
    field_ids = jnp.arange(F)[None, :]               # [1, F]
    emb = emb_tables[field_ids, cat_indices]          # [B, F, D] gather
    emb = emb.reshape(emb.shape[0], F * D)            # concat of per-field embeddings
    # TFNormalizationLayer on numericals
    num = (numericals - norm_mean) / norm_std         # [B, NUM]
    all_features = jnp.concatenate([emb, num], axis=1)  # [B, FEAT]
    # dense1 -> relu
    x = jax.nn.relu(all_features @ W1 + b1)
    # dropout is identity at inference
    # dense2
    out = x @ W2 + b2                                  # [B, 1]
    return out

if __name__ == "__main__":
    import jax
    _d = setup_inputs()
    print(jax.jit(kernel)(*tuple(_d.values())))

</pallas_src>

<mosaic_0001>
#map = affine_map<(d0, d1) -> (0, 0)>
module attributes {stable_mosaic.version = 14 : i64} {
  func.func @_sc_gather(%arg0: i32, %arg1: i32, %arg2: memref<26000x64xf32, #tpu.memory_space<hbm>>, %arg3: memref<832x128xi32, #tpu.memory_space<hbm>>, %arg4: memref<106496x64xf32, #tpu.memory_space<hbm>>, %arg5: memref<26x128xi32, #tpu.memory_space<vmem>>, %arg6: memref<4x128x64xf32, #tpu.memory_space<vmem>>, %arg7: memref<!tpu.dma_semaphore, #tpu.memory_space<semaphore_mem>>, %arg8: memref<!tpu.dma_semaphore, #tpu.memory_space<semaphore_mem>>) attributes {dimension_semantics = [#tpu.dimension_semantics<core_parallel>, #tpu.dimension_semantics<subcore_parallel>], iteration_bounds = array<i64: 2, 16>, scalar_prefetch = 0 : i64, scratch_operands = 4 : i64, tpu.core_type = #tpu.core_type<sc_vector_subcore>, window_params = [{transform_indices = #map}, {transform_indices = #map}, {transform_indices = #map}]} {
    %mul3A = arith.constant 2 : i32
    %mul3A_0 = arith.muli %arg1, %mul3A : i32
    %add3A = arith.addi %mul3A_0, %arg0 : i32
    %mul3A_1 = arith.constant 26 : i32
    %mul3A_2 = arith.muli %add3A, %mul3A_1 : i32
    "tpu.region"() ({
      %run_scoped3A = tpu.sem_alloc : memref<!tpu.dma_semaphore, #tpu.memory_space<semaphore_mem>>
      %dma_start3A_64 = arith.constant 0 : i32
      %dma_start3A_65 = tpu.memref_slice %arg3[%mul3A_2, %dma_start3A_64] : memref<832x128xi32, #tpu.memory_space<hbm>> -> memref<26x128xi32, #tpu.memory_space<hbm>>
      %dma_start3A_66 = arith.constant 0 : i32
      %dma_start3A_67 = tpu.memref_slice %arg3[%mul3A_2, %dma_start3A_66] : memref<832x128xi32, #tpu.memory_space<hbm>> -> memref<26x128xi32, #tpu.memory_space<hbm>>
      tpu.enqueue_dma source(%dma_start3A_67 : memref<26x128xi32, #tpu.memory_space<hbm>>) target(%arg5 : memref<26x128xi32, #tpu.memory_space<vmem>>) target_semaphore(%run_scoped3A : memref<!tpu.dma_semaphore, #tpu.memory_space<semaphore_mem>>)
      %dma_wait3A_68 = arith.constant 0 : i32
      %dma_wait3A_69 = tpu.memref_slice %arg3[%mul3A_2, %dma_wait3A_68] : memref<832x128xi32, #tpu.memory_space<hbm>> -> memref<26x128xi32, #tpu.memory_space<hbm>>
      %dma_wait3A_70 = arith.constant 0 : i32
      %dma_wait3A_71 = tpu.memref_slice %arg3[%mul3A_2, %dma_wait3A_70] : memref<832x128xi32, #tpu.memory_space<hbm>> -> memref<26x128xi32, #tpu.memory_space<hbm>>
      tpu.wait_dma2 semaphore(%run_scoped3A : memref<!tpu.dma_semaphore, #tpu.memory_space<semaphore_mem>>) src(%dma_wait3A_71 : memref<26x128xi32, #tpu.memory_space<hbm>>) dst(%arg5 : memref<26x128xi32, #tpu.memory_space<vmem>>)
      tpu.yield
    }) : () -> ()
    %mul3A_3 = arith.constant 26 : i32
    %mul3A_4 = arith.muli %add3A, %mul3A_3 : i32
    %mul3A_5 = arith.constant 128 : i32
    %mul3A_6 = arith.muli %mul3A_4, %mul3A_5 : i32
    %dma_start3A = arith.constant 0 : i32
    %dma_start3A_7 = arith.constant 0 : i32
    %dma_start3A_8 = arith.constant 0 : i32
    %dma_start3A_9 = arith.constant 0 : i32
    %dma_start3A_10 = tpu.memref_slice %arg6[%dma_start3A_7, %dma_start3A_8, %dma_start3A_9] : memref<4x128x64xf32, #tpu.memory_space<vmem>> -> memref<1x128x64xf32, #tpu.memory_space<vmem>>
    %dma_start3A_11 = tpu.memref_squeeze %dma_start3A_10 : memref<1x128x64xf32, #tpu.memory_space<vmem>> -> memref<128x64xf32, #tpu.memory_space<vmem>>
    %dma_start3A_12 = arith.constant 0 : i32
    %dma_start3A_13 = tpu.memref_slice %arg5[%dma_start3A, %dma_start3A_12] : memref<26x128xi32, #tpu.memory_space<vmem>> -> memref<1x128xi32, #tpu.memory_space<vmem>>
    %dma_start3A_14 = tpu.memref_squeeze %dma_start3A_13 : memref<1x128xi32, #tpu.memory_space<vmem>> -> memref<128xi32, #tpu.memory_space<vmem>>
    %dma_start3A_15 = arith.constant 0 : i32
    %dma_start3A_16 = arith.constant 0 : i32
    %dma_start3A_17 = tpu.memref_slice %arg2[%dma_start3A_15, %dma_start3A_16] : memref<26000x64xf32, #tpu.memory_space<hbm>> -> memref<26000x64xf32, #tpu.memory_space<hbm>>
    tpu.enqueue_indirect_dma source(%dma_start3A_17 : memref<26000x64xf32, #tpu.memory_space<hbm>>) target(%dma_start3A_11 : memref<128x64xf32, #tpu.memory_space<vmem>>) offsets(%dma_start3A_14 : memref<128xi32, #tpu.memory_space<vmem>>) semaphore(%arg7 : memref<!tpu.dma_semaphore, #tpu.memory_space<semaphore_mem>>)
    %dma_start3A_18 = arith.constant 1 : i32
    %dma_start3A_19 = arith.constant 1 : i32
    %dma_start3A_20 = arith.constant 0 : i32
    %dma_start3A_21 = arith.constant 0 : i32
    %dma_start3A_22 = tpu.memref_slice %arg6[%dma_start3A_19, %dma_start3A_20, %dma_start3A_21] : memref<4x128x64xf32, #tpu.memory_space<vmem>> -> memref<1x128x64xf32, #tpu.memory_space<vmem>>
    %dma_start3A_23 = tpu.memref_squeeze %dma_start3A_22 : memref<1x128x64xf32, #tpu.memory_space<vmem>> -> memref<128x64xf32, #tpu.memory_space<vmem>>
    %dma_start3A_24 = arith.constant 0 : i32
    %dma_start3A_25 = tpu.memref_slice %arg5[%dma_start3A_18, %dma_start3A_24] : memref<26x128xi32, #tpu.memory_space<vmem>> -> memref<1x128xi32, #tpu.memory_space<vmem>>
    %dma_start3A_26 = tpu.memref_squeeze %dma_start3A_25 : memref<1x128xi32, #tpu.memory_space<vmem>> -> memref<128xi32, #tpu.memory_space<vmem>>
    %dma_start3A_27 = arith.constant 0 : i32
    %dma_start3A_28 = arith.constant 0 : i32
    %dma_start3A_29 = tpu.memref_slice %arg2[%dma_start3A_27, %dma_start3A_28] : memref<26000x64xf32, #tpu.memory_space<hbm>> -> memref<26000x64xf32, #tpu.memory_space<hbm>>
    tpu.enqueue_indirect_dma source(%dma_start3A_29 : memref<26000x64xf32, #tpu.memory_space<hbm>>) target(%dma_start3A_23 : memref<128x64xf32, #tpu.memory_space<vmem>>) offsets(%dma_start3A_26 : memref<128xi32, #tpu.memory_space<vmem>>) semaphore(%arg7 : memref<!tpu.dma_semaphore, #tpu.memory_space<semaphore_mem>>)
    %scan3A = arith.constant 0 : i32
    %scan3A_30 = arith.constant 0 : i32
    %scan3A_31 = arith.constant 26 : i32
    %scan3A_32 = arith.addi %scan3A_30, %scan3A_31 : i32
    %scan3A_33 = arith.constant 1 : i32
    scf.for %scan3A_64 = %scan3A_30 to %scan3A_32 step %scan3A_33  : i32 {
      %rem3A = arith.constant 4 : i32
      %rem3A_65 = arith.remsi %scan3A_64, %rem3A : i32
      %dma_wait3A_66 = arith.constant 0 : i32
      %dma_wait3A_67 = arith.constant 0 : i32
      %dma_wait3A_68 = tpu.memref_slice %arg6[%rem3A_65, %dma_wait3A_66, %dma_wait3A_67] : memref<4x128x64xf32, #tpu.memory_space<vmem>> -> memref<1x128x64xf32, #tpu.memory_space<vmem>>
      %dma_wait3A_69 = tpu.memref_squeeze %dma_wait3A_68 : memref<1x128x64xf32, #tpu.memory_space<vmem>> -> memref<128x64xf32, #tpu.memory_space<vmem>>
      %dma_wait3A_70 = arith.constant 0 : i32
      %dma_wait3A_71 = tpu.memref_slice %arg5[%scan3A_64, %dma_wait3A_70] : memref<26x128xi32, #tpu.memory_space<vmem>> -> memref<1x128xi32, #tpu.memory_space<vmem>>
      %dma_wait3A_72 = tpu.memref_squeeze %dma_wait3A_71 : memref<1x128xi32, #tpu.memory_space<vmem>> -> memref<128xi32, #tpu.memory_space<vmem>>
      %dma_wait3A_73 = arith.constant 0 : i32
      %dma_wait3A_74 = arith.constant 0 : i32
      %dma_wait3A_75 = tpu.memref_slice %arg2[%dma_wait3A_73, %dma_wait3A_74] : memref<26000x64xf32, #tpu.memory_space<hbm>> -> memref<26000x64xf32, #tpu.memory_space<hbm>>
      tpu.wait_indirect_dma semaphore(%arg7 : memref<!tpu.dma_semaphore, #tpu.memory_space<semaphore_mem>>) src(%dma_wait3A_75 : memref<26000x64xf32, #tpu.memory_space<hbm>>) dst(%dma_wait3A_69 : memref<128x64xf32, #tpu.memory_space<vmem>>)
      %mul3A_76 = arith.constant 128 : i32
      %mul3A_77 = arith.muli %scan3A_64, %mul3A_76 : i32
      %add3A_78 = arith.addi %mul3A_6, %mul3A_77 : i32
      %dma_start3A_79 = arith.constant 0 : i32
      %dma_start3A_80 = arith.constant 0 : i32
      %dma_start3A_81 = tpu.memref_slice %arg6[%rem3A_65, %dma_start3A_79, %dma_start3A_80] : memref<4x128x64xf32, #tpu.memory_space<vmem>> -> memref<1x128x64xf32, #tpu.memory_space<vmem>>
      %dma_start3A_82 = tpu.memref_squeeze %dma_start3A_81 : memref<1x128x64xf32, #tpu.memory_space<vmem>> -> memref<128x64xf32, #tpu.memory_space<vmem>>
      %dma_start3A_83 = arith.constant 0 : i32
      %dma_start3A_84 = tpu.memref_slice %arg4[%add3A_78, %dma_start3A_83] : memref<106496x64xf32, #tpu.memory_space<hbm>> -> memref<128x64xf32, #tpu.memory_space<hbm>>
      %dma_start3A_85 = arith.constant 0 : i32
      %dma_start3A_86 = tpu.memref_slice %arg4[%add3A_78, %dma_start3A_85] : memref<106496x64xf32, #tpu.memory_space<hbm>> -> memref<128x64xf32, #tpu.memory_space<hbm>>
      %dma_start3A_87 = arith.constant 0 : i32
      %dma_start3A_88 = arith.constant 0 : i32
      %dma_start3A_89 = tpu.memref_slice %arg6[%rem3A_65, %dma_start3A_87, %dma_start3A_88] : memref<4x128x64xf32, #tpu.memory_space<vmem>> -> memref<1x128x64xf32, #tpu.memory_space<vmem>>
      %dma_start3A_90 = tpu.memref_squeeze %dma_start3A_89 : memref<1x128x64xf32, #tpu.memory_space<vmem>> -> memref<128x64xf32, #tpu.memory_space<vmem>>
      tpu.enqueue_dma source(%dma_start3A_90 : memref<128x64xf32, #tpu.memory_space<vmem>>) target(%dma_start3A_86 : memref<128x64xf32, #tpu.memory_space<hbm>>) target_semaphore(%arg8 : memref<!tpu.dma_semaphore, #tpu.memory_space<semaphore_mem>>)
      %ge3A = arith.constant 2 : i32
      %ge3A_91 = arith.cmpi sge, %scan3A_64, %ge3A : i32
      %convert_element_type3A = arith.extui %ge3A_91 : i1 to i32
      %cond3A = arith.constant 0 : i32
      %cond3A_92 = arith.cmpi ne, %convert_element_type3A, %cond3A : i32
      scf.if %cond3A_92 {
        %sub3A = arith.constant 2 : i32
        %sub3A_99 = arith.subi %scan3A_64, %sub3A : i32
        %rem3A_100 = arith.constant 4 : i32
        %rem3A_101 = arith.remsi %sub3A_99, %rem3A_100 : i32
        %sub3A_102 = arith.constant 2 : i32
        %sub3A_103 = arith.subi %scan3A_64, %sub3A_102 : i32
        %mul3A_104 = arith.constant 128 : i32
        %mul3A_105 = arith.muli %sub3A_103, %mul3A_104 : i32
        %add3A_106 = arith.addi %mul3A_6, %mul3A_105 : i32
        %dma_wait3A_107 = arith.constant 0 : i32
        %dma_wait3A_108 = arith.constant 0 : i32
        %dma_wait3A_109 = tpu.memref_slice %arg6[%rem3A_101, %dma_wait3A_107, %dma_wait3A_108] : memref<4x128x64xf32, #tpu.memory_space<vmem>> -> memref<1x128x64xf32, #tpu.memory_space<vmem>>
        %dma_wait3A_110 = tpu.memref_squeeze %dma_wait3A_109 : memref<1x128x64xf32, #tpu.memory_space<vmem>> -> memref<128x64xf32, #tpu.memory_space<vmem>>
        %dma_wait3A_111 = arith.constant 0 : i32
        %dma_wait3A_112 = tpu.memref_slice %arg4[%add3A_106, %dma_wait3A_111] : memref<106496x64xf32, #tpu.memory_space<hbm>> -> memref<128x64xf32, #tpu.memory_space<hbm>>
        %dma_wait3A_113 = arith.constant 0 : i32
        %dma_wait3A_114 = tpu.memref_slice %arg4[%add3A_106, %dma_wait3A_113] : memref<106496x64xf32, #tpu.memory_space<hbm>> -> memref<128x64xf32, #tpu.memory_space<hbm>>
        %dma_wait3A_115 = arith.constant 0 : i32
        %dma_wait3A_116 = arith.constant 0 : i32
        %dma_wait3A_117 = tpu.memref_slice %arg6[%rem3A_101, %dma_wait3A_115, %dma_wait3A_116] : memref<4x128x64xf32, #tpu.memory_space<vmem>> -> memref<1x128x64xf32, #tpu.memory_space<vmem>>
        %dma_wait3A_118 = tpu.memref_squeeze %dma_wait3A_117 : memref<1x128x64xf32, #tpu.memory_space<vmem>> -> memref<128x64xf32, #tpu.memory_space<vmem>>
        tpu.wait_dma2 semaphore(%arg8 : memref<!tpu.dma_semaphore, #tpu.memory_space<semaphore_mem>>) src(%dma_wait3A_118 : memref<128x64xf32, #tpu.memory_space<vmem>>) dst(%dma_wait3A_114 : memref<128x64xf32, #tpu.memory_space<hbm>>)
      } else {
      }
      %add3A_93 = arith.constant 2 : i32
      %add3A_94 = arith.addi %scan3A_64, %add3A_93 : i32
      %lt3A = arith.constant 26 : i32
      %lt3A_95 = arith.cmpi slt, %add3A_94, %lt3A : i32
      %convert_element_type3A_96 = arith.extui %lt3A_95 : i1 to i32
      %cond3A_97 = arith.constant 0 : i32
      %cond3A_98 = arith.cmpi ne, %convert_element_type3A_96, %cond3A_97 : i32
      scf.if %cond3A_98 {
        %add3A_99 = arith.constant 2 : i32
        %add3A_100 = arith.addi %scan3A_64, %add3A_99 : i32
        %add3A_101 = arith.constant 2 : i32
        %add3A_102 = arith.addi %scan3A_64, %add3A_101 : i32
        %rem3A_103 = arith.constant 4 : i32
        %rem3A_104 = arith.remsi %add3A_102, %rem3A_103 : i32
        %dma_start3A_105 = arith.constant 0 : i32
        %dma_start3A_106 = arith.constant 0 : i32
        %dma_start3A_107 = tpu.memref_slice %arg6[%rem3A_104, %dma_start3A_105, %dma_start3A_106] : memref<4x128x64xf32, #tpu.memory_space<vmem>> -> memref<1x128x64xf32, #tpu.memory_space<vmem>>
        %dma_start3A_108 = tpu.memref_squeeze %dma_start3A_107 : memref<1x128x64xf32, #tpu.memory_space<vmem>> -> memref<128x64xf32, #tpu.memory_space<vmem>>
        %dma_start3A_109 = arith.constant 0 : i32
        %dma_start3A_110 = tpu.memref_slice %arg5[%add3A_100, %dma_start3A_109] : memref<26x128xi32, #tpu.memory_space<vmem>> -> memref<1x128xi32, #tpu.memory_space<vmem>>
        %dma_start3A_111 = tpu.memref_squeeze %dma_start3A_110 : memref<1x128xi32, #tpu.memory_space<vmem>> -> memref<128xi32, #tpu.memory_space<vmem>>
        %dma_start3A_112 = arith.constant 0 : i32
        %dma_start3A_113 = arith.constant 0 : i32
        %dma_start3A_114 = tpu.memref_slice %arg2[%dma_start3A_112, %dma_start3A_113] : memref<26000x64xf32, #tpu.memory_space<hbm>> -> memref<26000x64xf32, #tpu.memory_space<hbm>>
        tpu.enqueue_indirect_dma source(%dma_start3A_114 : memref<26000x64xf32, #tpu.memory_space<hbm>>) target(%dma_start3A_108 : memref<128x64xf32, #tpu.memory_space<vmem>>) offsets(%dma_start3A_111 : memref<128xi32, #tpu.memory_space<vmem>>) semaphore(%arg7 : memref<!tpu.dma_semaphore, #tpu.memory_space<semaphore_mem>>)
      } else {
      }
    }
    %scan3A_34 = arith.constant 26 : i32
    %add3A_35 = arith.constant 3072 : i32
    %add3A_36 = arith.addi %mul3A_6, %add3A_35 : i32
    %dma_wait3A = arith.constant 0 : i32
    %dma_wait3A_37 = arith.constant 0 : i32
    %dma_wait3A_38 = arith.constant 0 : i32
    %dma_wait3A_39 = tpu.memref_slice %arg6[%dma_wait3A, %dma_wait3A_37, %dma_wait3A_38] : memref<4x128x64xf32, #tpu.memory_space<vmem>> -> memref<1x128x64xf32, #tpu.memory_space<vmem>>
    %dma_wait3A_40 = tpu.memref_squeeze %dma_wait3A_39 : memref<1x128x64xf32, #tpu.memory_space<vmem>> -> memref<128x64xf32, #tpu.memory_space<vmem>>
    %dma_wait3A_41 = arith.constant 0 : i32
    %dma_wait3A_42 = tpu.memref_slice %arg4[%add3A_36, %dma_wait3A_41] : memref<106496x64xf32, #tpu.memory_space<hbm>> -> memref<128x64xf32, #tpu.memory_space<hbm>>
    %dma_wait3A_43 = arith.constant 0 : i32
    %dma_wait3A_44 = tpu.memref_slice %arg4[%add3A_36, %dma_wait3A_43] : memref<106496x64xf32, #tpu.memory_space<hbm>> -> memref<128x64xf32, #tpu.memory_space<hbm>>
    %dma_wait3A_45 = arith.constant 0 : i32
    %dma_wait3A_46 = arith.constant 0 : i32
    %dma_wait3A_47 = tpu.memref_slice %arg6[%dma_wait3A, %dma_wait3A_45, %dma_wait3A_46] : memref<4x128x64xf32, #tpu.memory_space<vmem>> -> memref<1x128x64xf32, #tpu.memory_space<vmem>>
    %dma_wait3A_48 = tpu.memref_squeeze %dma_wait3A_47 : memref<1x128x64xf32, #tpu.memory_space<vmem>> -> memref<128x64xf32, #tpu.memory_space<vmem>>
    tpu.wait_dma2 semaphore(%arg8 : memref<!tpu.dma_semaphore, #tpu.memory_space<semaphore_mem>>) src(%dma_wait3A_48 : memref<128x64xf32, #tpu.memory_space<vmem>>) dst(%dma_wait3A_44 : memref<128x64xf32, #tpu.memory_space<hbm>>)
    %add3A_49 = arith.constant 3200 : i32
    %add3A_50 = arith.addi %mul3A_6, %add3A_49 : i32
    %dma_wait3A_51 = arith.constant 1 : i32
    %dma_wait3A_52 = arith.constant 0 : i32
    %dma_wait3A_53 = arith.constant 0 : i32
    %dma_wait3A_54 = tpu.memref_slice %arg6[%dma_wait3A_51, %dma_wait3A_52, %dma_wait3A_53] : memref<4x128x64xf32, #tpu.memory_space<vmem>> -> memref<1x128x64xf32, #tpu.memory_space<vmem>>
    %dma_wait3A_55 = tpu.memref_squeeze %dma_wait3A_54 : memref<1x128x64xf32, #tpu.memory_space<vmem>> -> memref<128x64xf32, #tpu.memory_space<vmem>>
    %dma_wait3A_56 = arith.constant 0 : i32
    %dma_wait3A_57 = tpu.memref_slice %arg4[%add3A_50, %dma_wait3A_56] : memref<106496x64xf32, #tpu.memory_space<hbm>> -> memref<128x64xf32, #tpu.memory_space<hbm>>
    %dma_wait3A_58 = arith.constant 0 : i32
    %dma_wait3A_59 = tpu.memref_slice %arg4[%add3A_50, %dma_wait3A_58] : memref<106496x64xf32, #tpu.memory_space<hbm>> -> memref<128x64xf32, #tpu.memory_space<hbm>>
    %dma_wait3A_60 = arith.constant 0 : i32
    %dma_wait3A_61 = arith.constant 0 : i32
    %dma_wait3A_62 = tpu.memref_slice %arg6[%dma_wait3A_51, %dma_wait3A_60, %dma_wait3A_61] : memref<4x128x64xf32, #tpu.memory_space<vmem>> -> memref<1x128x64xf32, #tpu.memory_space<vmem>>
    %dma_wait3A_63 = tpu.memref_squeeze %dma_wait3A_62 : memref<1x128x64xf32, #tpu.memory_space<vmem>> -> memref<128x64xf32, #tpu.memory_space<vmem>>
    tpu.wait_dma2 semaphore(%arg8 : memref<!tpu.dma_semaphore, #tpu.memory_space<semaphore_mem>>) src(%dma_wait3A_63 : memref<128x64xf32, #tpu.memory_space<vmem>>) dst(%dma_wait3A_59 : memref<128x64xf32, #tpu.memory_space<hbm>>)
    return
  }
}

#map = affine_map<(d0, d1) -> (0, 0)>
module attributes {stable_mosaic.version = 14 : i64} {
  func.func @_sc_gather(%arg0: i32, %arg1: i32, %arg2: memref<26000x64xf32, #tpu.memory_space<hbm>>, %arg3: memref<832x128xi32, #tpu.memory_space<hbm>>, %arg4: memref<106496x64xf32, #tpu.memory_space<hbm>>, %arg5: memref<26x128xi32, #tpu.memory_space<vmem>>, %arg6: memref<4x128x64xf32, #tpu.memory_space<vmem>>, %arg7: memref<!tpu.dma_semaphore, #tpu.memory_space<semaphore_mem>>, %arg8: memref<!tpu.dma_semaphore, #tpu.memory_space<semaphore_mem>>) attributes {dimension_semantics = [#tpu.dimension_semantics<core_parallel>, #tpu.dimension_semantics<subcore_parallel>], iteration_bounds = array<i64: 2, 16>, scalar_prefetch = 0 : i64, scratch_operands = 4 : i64, tpu.core_type = #tpu.core_type<sc_vector_subcore>, window_params = [{transform_indices = #map}, {transform_indices = #map}, {transform_indices = #map}]} {
    %mul3A = arith.constant 2 : i32
    %mul3A_0 = arith.muli %arg1, %mul3A : i32
    %add3A = arith.addi %mul3A_0, %arg0 : i32
    %mul3A_1 = arith.constant 26 : i32
    %mul3A_2 = arith.muli %add3A, %mul3A_1 : i32
    "tpu.region"() ({
      %run_scoped3A = tpu.sem_alloc : memref<!tpu.dma_semaphore, #tpu.memory_space<semaphore_mem>>
      %dma_start3A_64 = arith.constant 0 : i32
      %dma_start3A_65 = tpu.memref_slice %arg3[%mul3A_2, %dma_start3A_64] : memref<832x128xi32, #tpu.memory_space<hbm>> -> memref<26x128xi32, #tpu.memory_space<hbm>>
      %dma_start3A_66 = arith.constant 0 : i32
      %dma_start3A_67 = tpu.memref_slice %arg3[%mul3A_2, %dma_start3A_66] : memref<832x128xi32, #tpu.memory_space<hbm>> -> memref<26x128xi32, #tpu.memory_space<hbm>>
      tpu.enqueue_dma source(%dma_start3A_67 : memref<26x128xi32, #tpu.memory_space<hbm>>) target(%arg5 : memref<26x128xi32, #tpu.memory_space<vmem>>) target_semaphore(%run_scoped3A : memref<!tpu.dma_semaphore, #tpu.memory_space<semaphore_mem>>)
      %dma_wait3A_68 = arith.constant 0 : i32
      %dma_wait3A_69 = tpu.memref_slice %arg3[%mul3A_2, %dma_wait3A_68] : memref<832x128xi32, #tpu.memory_space<hbm>> -> memref<26x128xi32, #tpu.memory_space<hbm>>
      %dma_wait3A_70 = arith.constant 0 : i32
      %dma_wait3A_71 = tpu.memref_slice %arg3[%mul3A_2, %dma_wait3A_70] : memref<832x128xi32, #tpu.memory_space<hbm>> -> memref<26x128xi32, #tpu.memory_space<hbm>>
      tpu.wait_dma2 semaphore(%run_scoped3A : memref<!tpu.dma_semaphore, #tpu.memory_space<semaphore_mem>>) src(%dma_wait3A_71 : memref<26x128xi32, #tpu.memory_space<hbm>>) dst(%arg5 : memref<26x128xi32, #tpu.memory_space<vmem>>)
      tpu.yield
    }) : () -> ()
    %mul3A_3 = arith.constant 26 : i32
    %mul3A_4 = arith.muli %add3A, %mul3A_3 : i32
    %mul3A_5 = arith.constant 128 : i32
    %mul3A_6 = arith.muli %mul3A_4, %mul3A_5 : i32
    %dma_start3A = arith.constant 0 : i32
    %dma_start3A_7 = arith.constant 0 : i32
    %dma_start3A_8 = arith.constant 0 : i32
    %dma_start3A_9 = arith.constant 0 : i32
    %dma_start3A_10 = tpu.memref_slice %arg6[%dma_start3A_7, %dma_start3A_8, %dma_start3A_9] : memref<4x128x64xf32, #tpu.memory_space<vmem>> -> memref<1x128x64xf32, #tpu.memory_space<vmem>>
    %dma_start3A_11 = tpu.memref_squeeze %dma_start3A_10 : memref<1x128x64xf32, #tpu.memory_space<vmem>> -> memref<128x64xf32, #tpu.memory_space<vmem>>
    %dma_start3A_12 = arith.constant 0 : i32
    %dma_start3A_13 = tpu.memref_slice %arg5[%dma_start3A, %dma_start3A_12] : memref<26x128xi32, #tpu.memory_space<vmem>> -> memref<1x128xi32, #tpu.memory_space<vmem>>
    %dma_start3A_14 = tpu.memref_squeeze %dma_start3A_13 : memref<1x128xi32, #tpu.memory_space<vmem>> -> memref<128xi32, #tpu.memory_space<vmem>>
    %dma_start3A_15 = arith.constant 0 : i32
    %dma_start3A_16 = arith.constant 0 : i32
    %dma_start3A_17 = tpu.memref_slice %arg2[%dma_start3A_15, %dma_start3A_16] : memref<26000x64xf32, #tpu.memory_space<hbm>> -> memref<26000x64xf32, #tpu.memory_space<hbm>>
    tpu.enqueue_indirect_dma source(%dma_start3A_17 : memref<26000x64xf32, #tpu.memory_space<hbm>>) target(%dma_start3A_11 : memref<128x64xf32, #tpu.memory_space<vmem>>) offsets(%dma_start3A_14 : memref<128xi32, #tpu.memory_space<vmem>>) semaphore(%arg7 : memref<!tpu.dma_semaphore, #tpu.memory_space<semaphore_mem>>)
    %dma_start3A_18 = arith.constant 1 : i32
    %dma_start3A_19 = arith.constant 1 : i32
    %dma_start3A_20 = arith.constant 0 : i32
    %dma_start3A_21 = arith.constant 0 : i32
    %dma_start3A_22 = tpu.memref_slice %arg6[%dma_start3A_19, %dma_start3A_20, %dma_start3A_21] : memref<4x128x64xf32, #tpu.memory_space<vmem>> -> memref<1x128x64xf32, #tpu.memory_space<vmem>>
    %dma_start3A_23 = tpu.memref_squeeze %dma_start3A_22 : memref<1x128x64xf32, #tpu.memory_space<vmem>> -> memref<128x64xf32, #tpu.memory_space<vmem>>
    %dma_start3A_24 = arith.constant 0 : i32
    %dma_start3A_25 = tpu.memref_slice %arg5[%dma_start3A_18, %dma_start3A_24] : memref<26x128xi32, #tpu.memory_space<vmem>> -> memref<1x128xi32, #tpu.memory_space<vmem>>
    %dma_start3A_26 = tpu.memref_squeeze %dma_start3A_25 : memref<1x128xi32, #tpu.memory_space<vmem>> -> memref<128xi32, #tpu.memory_space<vmem>>
    %dma_start3A_27 = arith.constant 0 : i32
    %dma_start3A_28 = arith.constant 0 : i32
    %dma_start3A_29 = tpu.memref_slice %arg2[%dma_start3A_27, %dma_start3A_28] : memref<26000x64xf32, #tpu.memory_space<hbm>> -> memref<26000x64xf32, #tpu.memory_space<hbm>>
    tpu.enqueue_indirect_dma source(%dma_start3A_29 : memref<26000x64xf32, #tpu.memory_space<hbm>>) target(%dma_start3A_23 : memref<128x64xf32, #tpu.memory_space<vmem>>) offsets(%dma_start3A_26 : memref<128xi32, #tpu.memory_space<vmem>>) semaphore(%arg7 : memref<!tpu.dma_semaphore, #tpu.memory_space<semaphore_mem>>)
    %scan3A = arith.constant 0 : i32
    %scan3A_30 = arith.constant 0 : i32
    %scan3A_31 = arith.constant 26 : i32
    %scan3A_32 = arith.addi %scan3A_30, %scan3A_31 : i32
    %scan3A_33 = arith.constant 1 : i32
    scf.for %scan3A_64 = %scan3A_30 to %scan3A_32 step %scan3A_33  : i32 {
      %rem3A = arith.constant 4 : i32
      %rem3A_65 = arith.remsi %scan3A_64, %rem3A : i32
      %dma_wait3A_66 = arith.constant 0 : i32
      %dma_wait3A_67 = arith.constant 0 : i32
      %dma_wait3A_68 = tpu.memref_slice %arg6[%rem3A_65, %dma_wait3A_66, %dma_wait3A_67] : memref<4x128x64xf32, #tpu.memory_space<vmem>> -> memref<1x128x64xf32, #tpu.memory_space<vmem>>
      %dma_wait3A_69 = tpu.memref_squeeze %dma_wait3A_68 : memref<1x128x64xf32, #tpu.memory_space<vmem>> -> memref<128x64xf32, #tpu.memory_space<vmem>>
      %dma_wait3A_70 = arith.constant 0 : i32
      %dma_wait3A_71 = tpu.memref_slice %arg5[%scan3A_64, %dma_wait3A_70] : memref<26x128xi32, #tpu.memory_space<vmem>> -> memref<1x128xi32, #tpu.memory_space<vmem>>
      %dma_wait3A_72 = tpu.memref_squeeze %dma_wait3A_71 : memref<1x128xi32, #tpu.memory_space<vmem>> -> memref<128xi32, #tpu.memory_space<vmem>>
      %dma_wait3A_73 = arith.constant 0 : i32
      %dma_wait3A_74 = arith.constant 0 : i32
      %dma_wait3A_75 = tpu.memref_slice %arg2[%dma_wait3A_73, %dma_wait3A_74] : memref<26000x64xf32, #tpu.memory_space<hbm>> -> memref<26000x64xf32, #tpu.memory_space<hbm>>
      tpu.wait_indirect_dma semaphore(%arg7 : memref<!tpu.dma_semaphore, #tpu.memory_space<semaphore_mem>>) src(%dma_wait3A_75 : memref<26000x64xf32, #tpu.memory_space<hbm>>) dst(%dma_wait3A_69 : memref<128x64xf32, #tpu.memory_space<vmem>>)
      %mul3A_76 = arith.constant 128 : i32
      %mul3A_77 = arith.muli %scan3A_64, %mul3A_76 : i32
      %add3A_78 = arith.addi %mul3A_6, %mul3A_77 : i32
      %dma_start3A_79 = arith.constant 0 : i32
      %dma_start3A_80 = arith.constant 0 : i32
      %dma_start3A_81 = tpu.memref_slice %arg6[%rem3A_65, %dma_start3A_79, %dma_start3A_80] : memref<4x128x64xf32, #tpu.memory_space<vmem>> -> memref<1x128x64xf32, #tpu.memory_space<vmem>>
      %dma_start3A_82 = tpu.memref_squeeze %dma_start3A_81 : memref<1x128x64xf32, #tpu.memory_space<vmem>> -> memref<128x64xf32, #tpu.memory_space<vmem>>
      %dma_start3A_83 = arith.constant 0 : i32
      %dma_start3A_84 = tpu.memref_slice %arg4[%add3A_78, %dma_start3A_83] : memref<106496x64xf32, #tpu.memory_space<hbm>> -> memref<128x64xf32, #tpu.memory_space<hbm>>
      %dma_start3A_85 = arith.constant 0 : i32
      %dma_start3A_86 = tpu.memref_slice %arg4[%add3A_78, %dma_start3A_85] : memref<106496x64xf32, #tpu.memory_space<hbm>> -> memref<128x64xf32, #tpu.memory_space<hbm>>
      %dma_start3A_87 = arith.constant 0 : i32
      %dma_start3A_88 = arith.constant 0 : i32
      %dma_start3A_89 = tpu.memref_slice %arg6[%rem3A_65, %dma_start3A_87, %dma_start3A_88] : memref<4x128x64xf32, #tpu.memory_space<vmem>> -> memref<1x128x64xf32, #tpu.memory_space<vmem>>
      %dma_start3A_90 = tpu.memref_squeeze %dma_start3A_89 : memref<1x128x64xf32, #tpu.memory_space<vmem>> -> memref<128x64xf32, #tpu.memory_space<vmem>>
      tpu.enqueue_dma source(%dma_start3A_90 : memref<128x64xf32, #tpu.memory_space<vmem>>) target(%dma_start3A_86 : memref<128x64xf32, #tpu.memory_space<hbm>>) target_semaphore(%arg8 : memref<!tpu.dma_semaphore, #tpu.memory_space<semaphore_mem>>)
      %ge3A = arith.constant 2 : i32
      %ge3A_91 = arith.cmpi sge, %scan3A_64, %ge3A : i32
      %convert_element_type3A = arith.extui %ge3A_91 : i1 to i32
      %cond3A = arith.constant 0 : i32
      %cond3A_92 = arith.cmpi ne, %convert_element_type3A, %cond3A : i32
      scf.if %cond3A_92 {
        %sub3A = arith.constant 2 : i32
        %sub3A_99 = arith.subi %scan3A_64, %sub3A : i32
        %rem3A_100 = arith.constant 4 : i32
        %rem3A_101 = arith.remsi %sub3A_99, %rem3A_100 : i32
        %sub3A_102 = arith.constant 2 : i32
        %sub3A_103 = arith.subi %scan3A_64, %sub3A_102 : i32
        %mul3A_104 = arith.constant 128 : i32
        %mul3A_105 = arith.muli %sub3A_103, %mul3A_104 : i32
        %add3A_106 = arith.addi %mul3A_6, %mul3A_105 : i32
        %dma_wait3A_107 = arith.constant 0 : i32
        %dma_wait3A_108 = arith.constant 0 : i32
        %dma_wait3A_109 = tpu.memref_slice %arg6[%rem3A_101, %dma_wait3A_107, %dma_wait3A_108] : memref<4x128x64xf32, #tpu.memory_space<vmem>> -> memref<1x128x64xf32, #tpu.memory_space<vmem>>
        %dma_wait3A_110 = tpu.memref_squeeze %dma_wait3A_109 : memref<1x128x64xf32, #tpu.memory_space<vmem>> -> memref<128x64xf32, #tpu.memory_space<vmem>>
        %dma_wait3A_111 = arith.constant 0 : i32
        %dma_wait3A_112 = tpu.memref_slice %arg4[%add3A_106, %dma_wait3A_111] : memref<106496x64xf32, #tpu.memory_space<hbm>> -> memref<128x64xf32, #tpu.memory_space<hbm>>
        %dma_wait3A_113 = arith.constant 0 : i32
        %dma_wait3A_114 = tpu.memref_slice %arg4[%add3A_106, %dma_wait3A_113] : memref<106496x64xf32, #tpu.memory_space<hbm>> -> memref<128x64xf32, #tpu.memory_space<hbm>>
        %dma_wait3A_115 = arith.constant 0 : i32
        %dma_wait3A_116 = arith.constant 0 : i32
        %dma_wait3A_117 = tpu.memref_slice %arg6[%rem3A_101, %dma_wait3A_115, %dma_wait3A_116] : memref<4x128x64xf32, #tpu.memory_space<vmem>> -> memref<1x128x64xf32, #tpu.memory_space<vmem>>
        %dma_wait3A_118 = tpu.memref_squeeze %dma_wait3A_117 : memref<1x128x64xf32, #tpu.memory_space<vmem>> -> memref<128x64xf32, #tpu.memory_space<vmem>>
        tpu.wait_dma2 semaphore(%arg8 : memref<!tpu.dma_semaphore, #tpu.memory_space<semaphore_mem>>) src(%dma_wait3A_118 : memref<128x64xf32, #tpu.memory_space<vmem>>) dst(%dma_wait3A_114 : memref<128x64xf32, #tpu.memory_space<hbm>>)
      } else {
      }
      %add3A_93 = arith.constant 2 : i32
      %add3A_94 = arith.addi %scan3A_64, %add3A_93 : i32
      %lt3A = arith.constant 26 : i32
      %lt3A_95 = arith.cmpi slt, %add3A_94, %lt3A : i32
      %convert_element_type3A_96 = arith.extui %lt3A_95 : i1 to i32
      %cond3A_97 = arith.constant 0 : i32
      %cond3A_98 = arith.cmpi ne, %convert_element_type3A_96, %cond3A_97 : i32
      scf.if %cond3A_98 {
        %add3A_99 = arith.constant 2 : i32
        %add3A_100 = arith.addi %scan3A_64, %add3A_99 : i32
        %add3A_101 = arith.constant 2 : i32
        %add3A_102 = arith.addi %scan3A_64, %add3A_101 : i32
        %rem3A_103 = arith.constant 4 : i32
        %rem3A_104 = arith.remsi %add3A_102, %rem3A_103 : i32
        %dma_start3A_105 = arith.constant 0 : i32
        %dma_start3A_106 = arith.constant 0 : i32
        %dma_start3A_107 = tpu.memref_slice %arg6[%rem3A_104, %dma_start3A_105, %dma_start3A_106] : memref<4x128x64xf32, #tpu.memory_space<vmem>> -> memref<1x128x64xf32, #tpu.memory_space<vmem>>
        %dma_start3A_108 = tpu.memref_squeeze %dma_start3A_107 : memref<1x128x64xf32, #tpu.memory_space<vmem>> -> memref<128x64xf32, #tpu.memory_space<vmem>>
        %dma_start3A_109 = arith.constant 0 : i32
        %dma_start3A_110 = tpu.memref_slice %arg5[%add3A_100, %dma_start3A_109] : memref<26x128xi32, #tpu.memory_space<vmem>> -> memref<1x128xi32, #tpu.memory_space<vmem>>
        %dma_start3A_111 = tpu.memref_squeeze %dma_start3A_110 : memref<1x128xi32, #tpu.memory_space<vmem>> -> memref<128xi32, #tpu.memory_space<vmem>>
        %dma_start3A_112 = arith.constant 0 : i32
        %dma_start3A_113 = arith.constant 0 : i32
        %dma_start3A_114 = tpu.memref_slice %arg2[%dma_start3A_112, %dma_start3A_113] : memref<26000x64xf32, #tpu.memory_space<hbm>> -> memref<26000x64xf32, #tpu.memory_space<hbm>>
        tpu.enqueue_indirect_dma source(%dma_start3A_114 : memref<26000x64xf32, #tpu.memory_space<hbm>>) target(%dma_start3A_108 : memref<128x64xf32, #tpu.memory_space<vmem>>) offsets(%dma_start3A_111 : memref<128xi32, #tpu.memory_space<vmem>>) semaphore(%arg7 : memref<!tpu.dma_semaphore, #tpu.memory_space<semaphore_mem>>)
      } else {
      }
    }
    %scan3A_34 = arith.constant 26 : i32
    %add3A_35 = arith.constant 3072 : i32
    %add3A_36 = arith.addi %mul3A_6, %add3A_35 : i32
    %dma_wait3A = arith.constant 0 : i32
    %dma_wait3A_37 = arith.constant 0 : i32
    %dma_wait3A_38 = arith.constant 0 : i32
    %dma_wait3A_39 = tpu.memref_slice %arg6[%dma_wait3A, %dma_wait3A_37, %dma_wait3A_38] : memref<4x128x64xf32, #tpu.memory_space<vmem>> -> memref<1x128x64xf32, #tpu.memory_space<vmem>>
    %dma_wait3A_40 = tpu.memref_squeeze %dma_wait3A_39 : memref<1x128x64xf32, #tpu.memory_space<vmem>> -> memref<128x64xf32, #tpu.memory_space<vmem>>
    %dma_wait3A_41 = arith.constant 0 : i32
    %dma_wait3A_42 = tpu.memref_slice %arg4[%add3A_36, %dma_wait3A_41] : memref<106496x64xf32, #tpu.memory_space<hbm>> -> memref<128x64xf32, #tpu.memory_space<hbm>>
    %dma_wait3A_43 = arith.constant 0 : i32
    %dma_wait3A_44 = tpu.memref_slice %arg4[%add3A_36, %dma_wait3A_43] : memref<106496x64xf32, #tpu.memory_space<hbm>> -> memref<128x64xf32, #tpu.memory_space<hbm>>
    %dma_wait3A_45 = arith.constant 0 : i32
    %dma_wait3A_46 = arith.constant 0 : i32
    %dma_wait3A_47 = tpu.memref_slice %arg6[%dma_wait3A, %dma_wait3A_45, %dma_wait3A_46] : memref<4x128x64xf32, #tpu.memory_space<vmem>> -> memref<1x128x64xf32, #tpu.memory_space<vmem>>
    %dma_wait3A_48 = tpu.memref_squeeze %dma_wait3A_47 : memref<1x128x64xf32, #tpu.memory_space<vmem>> -> memref<128x64xf32, #tpu.memory_space<vmem>>
    tpu.wait_dma2 semaphore(%arg8 : memref<!tpu.dma_semaphore, #tpu.memory_space<semaphore_mem>>) src(%dma_wait3A_48 : memref<128x64xf32, #tpu.memory_space<vmem>>) dst(%dma_wait3A_44 : memref<128x64xf32, #tpu.memory_space<hbm>>)
    %add3A_49 = arith.constant 3200 : i32
    %add3A_50 = arith.addi %mul3A_6, %add3A_49 : i32
    %dma_wait3A_51 = arith.constant 1 : i32
    %dma_wait3A_52 = arith.constant 0 : i32
    %dma_wait3A_53 = arith.constant 0 : i32
    %dma_wait3A_54 = tpu.memref_slice %arg6[%dma_wait3A_51, %dma_wait3A_52, %dma_wait3A_53] : memref<4x128x64xf32, #tpu.memory_space<vmem>> -> memref<1x128x64xf32, #tpu.memory_space<vmem>>
    %dma_wait3A_55 = tpu.memref_squeeze %dma_wait3A_54 : memref<1x128x64xf32, #tpu.memory_space<vmem>> -> memref<128x64xf32, #tpu.memory_space<vmem>>
    %dma_wait3A_56 = arith.constant 0 : i32
    %dma_wait3A_57 = tpu.memref_slice %arg4[%add3A_50, %dma_wait3A_56] : memref<106496x64xf32, #tpu.memory_space<hbm>> -> memref<128x64xf32, #tpu.memory_space<hbm>>
    %dma_wait3A_58 = arith.constant 0 : i32
    %dma_wait3A_59 = tpu.memref_slice %arg4[%add3A_50, %dma_wait3A_58] : memref<106496x64xf32, #tpu.memory_space<hbm>> -> memref<128x64xf32, #tpu.memory_space<hbm>>
    %dma_wait3A_60 = arith.constant 0 : i32
    %dma_wait3A_61 = arith.constant 0 : i32
    %dma_wait3A_62 = tpu.memref_slice %arg6[%dma_wait3A_51, %dma_wait3A_60, %dma_wait3A_61] : memref<4x128x64xf32, #tpu.memory_space<vmem>> -> memref<1x128x64xf32, #tpu.memory_space<vmem>>
    %dma_wait3A_63 = tpu.memref_squeeze %dma_wait3A_62 : memref<1x128x64xf32, #tpu.memory_space<vmem>> -> memref<128x64xf32, #tpu.memory_space<vmem>>
    tpu.wait_dma2 semaphore(%arg8 : memref<!tpu.dma_semaphore, #tpu.memory_space<semaphore_mem>>) src(%dma_wait3A_63 : memref<128x64xf32, #tpu.memory_space<vmem>>) dst(%dma_wait3A_59 : memref<128x64xf32, #tpu.memory_space<hbm>>)
    return
  }
}

#map = affine_map<(d0, d1) -> (0, 0)>
module attributes {stable_mosaic.version = 14 : i64} {
  func.func @_sc_gather(%arg0: i32, %arg1: i32, %arg2: memref<26000x64xf32, #tpu.memory_space<hbm>>, %arg3: memref<832x128xi32, #tpu.memory_space<hbm>>, %arg4: memref<106496x64xf32, #tpu.memory_space<hbm>>, %arg5: memref<26x128xi32, #tpu.memory_space<vmem>>, %arg6: memref<4x128x64xf32, #tpu.memory_space<vmem>>, %arg7: memref<!tpu.dma_semaphore, #tpu.memory_space<semaphore_mem>>, %arg8: memref<!tpu.dma_semaphore, #tpu.memory_space<semaphore_mem>>) attributes {dimension_semantics = [#tpu.dimension_semantics<core_parallel>, #tpu.dimension_semantics<subcore_parallel>], iteration_bounds = array<i64: 2, 16>, scalar_prefetch = 0 : i64, scratch_operands = 4 : i64, tpu.core_type = #tpu.core_type<sc_vector_subcore>, window_params = [{transform_indices = #map}, {transform_indices = #map}, {transform_indices = #map}]} {
    %mul3A = arith.constant 2 : i32
    %mul3A_0 = arith.muli %arg1, %mul3A : i32
    %add3A = arith.addi %mul3A_0, %arg0 : i32
    %mul3A_1 = arith.constant 26 : i32
    %mul3A_2 = arith.muli %add3A, %mul3A_1 : i32
    "tpu.region"() ({
      %run_scoped3A = tpu.sem_alloc : memref<!tpu.dma_semaphore, #tpu.memory_space<semaphore_mem>>
      %dma_start3A_64 = arith.constant 0 : i32
      %dma_start3A_65 = tpu.memref_slice %arg3[%mul3A_2, %dma_start3A_64] : memref<832x128xi32, #tpu.memory_space<hbm>> -> memref<26x128xi32, #tpu.memory_space<hbm>>
      %dma_start3A_66 = arith.constant 0 : i32
      %dma_start3A_67 = tpu.memref_slice %arg3[%mul3A_2, %dma_start3A_66] : memref<832x128xi32, #tpu.memory_space<hbm>> -> memref<26x128xi32, #tpu.memory_space<hbm>>
      tpu.enqueue_dma source(%dma_start3A_67 : memref<26x128xi32, #tpu.memory_space<hbm>>) target(%arg5 : memref<26x128xi32, #tpu.memory_space<vmem>>) target_semaphore(%run_scoped3A : memref<!tpu.dma_semaphore, #tpu.memory_space<semaphore_mem>>)
      %dma_wait3A_68 = arith.constant 0 : i32
      %dma_wait3A_69 = tpu.memref_slice %arg3[%mul3A_2, %dma_wait3A_68] : memref<832x128xi32, #tpu.memory_space<hbm>> -> memref<26x128xi32, #tpu.memory_space<hbm>>
      %dma_wait3A_70 = arith.constant 0 : i32
      %dma_wait3A_71 = tpu.memref_slice %arg3[%mul3A_2, %dma_wait3A_70] : memref<832x128xi32, #tpu.memory_space<hbm>> -> memref<26x128xi32, #tpu.memory_space<hbm>>
      tpu.wait_dma2 semaphore(%run_scoped3A : memref<!tpu.dma_semaphore, #tpu.memory_space<semaphore_mem>>) src(%dma_wait3A_71 : memref<26x128xi32, #tpu.memory_space<hbm>>) dst(%arg5 : memref<26x128xi32, #tpu.memory_space<vmem>>)
      tpu.yield
    }) : () -> ()
    %mul3A_3 = arith.constant 26 : i32
    %mul3A_4 = arith.muli %add3A, %mul3A_3 : i32
    %mul3A_5 = arith.constant 128 : i32
    %mul3A_6 = arith.muli %mul3A_4, %mul3A_5 : i32
    %dma_start3A = arith.constant 0 : i32
    %dma_start3A_7 = arith.constant 0 : i32
    %dma_start3A_8 = arith.constant 0 : i32
    %dma_start3A_9 = arith.constant 0 : i32
    %dma_start3A_10 = tpu.memref_slice %arg6[%dma_start3A_7, %dma_start3A_8, %dma_start3A_9] : memref<4x128x64xf32, #tpu.memory_space<vmem>> -> memref<1x128x64xf32, #tpu.memory_space<vmem>>
    %dma_start3A_11 = tpu.memref_squeeze %dma_start3A_10 : memref<1x128x64xf32, #tpu.memory_space<vmem>> -> memref<128x64xf32, #tpu.memory_space<vmem>>
    %dma_start3A_12 = arith.constant 0 : i32
    %dma_start3A_13 = tpu.memref_slice %arg5[%dma_start3A, %dma_start3A_12] : memref<26x128xi32, #tpu.memory_space<vmem>> -> memref<1x128xi32, #tpu.memory_space<vmem>>
    %dma_start3A_14 = tpu.memref_squeeze %dma_start3A_13 : memref<1x128xi32, #tpu.memory_space<vmem>> -> memref<128xi32, #tpu.memory_space<vmem>>
    %dma_start3A_15 = arith.constant 0 : i32
    %dma_start3A_16 = arith.constant 0 : i32
    %dma_start3A_17 = tpu.memref_slice %arg2[%dma_start3A_15, %dma_start3A_16] : memref<26000x64xf32, #tpu.memory_space<hbm>> -> memref<26000x64xf32, #tpu.memory_space<hbm>>
    tpu.enqueue_indirect_dma source(%dma_start3A_17 : memref<26000x64xf32, #tpu.memory_space<hbm>>) target(%dma_start3A_11 : memref<128x64xf32, #tpu.memory_space<vmem>>) offsets(%dma_start3A_14 : memref<128xi32, #tpu.memory_space<vmem>>) semaphore(%arg7 : memref<!tpu.dma_semaphore, #tpu.memory_space<semaphore_mem>>)
    %dma_start3A_18 = arith.constant 1 : i32
    %dma_start3A_19 = arith.constant 1 : i32
    %dma_start3A_20 = arith.constant 0 : i32
    %dma_start3A_21 = arith.constant 0 : i32
    %dma_start3A_22 = tpu.memref_slice %arg6[%dma_start3A_19, %dma_start3A_20, %dma_start3A_21] : memref<4x128x64xf32, #tpu.memory_space<vmem>> -> memref<1x128x64xf32, #tpu.memory_space<vmem>>
    %dma_start3A_23 = tpu.memref_squeeze %dma_start3A_22 : memref<1x128x64xf32, #tpu.memory_space<vmem>> -> memref<128x64xf32, #tpu.memory_space<vmem>>
    %dma_start3A_24 = arith.constant 0 : i32
    %dma_start3A_25 = tpu.memref_slice %arg5[%dma_start3A_18, %dma_start3A_24] : memref<26x128xi32, #tpu.memory_space<vmem>> -> memref<1x128xi32, #tpu.memory_space<vmem>>
    %dma_start3A_26 = tpu.memref_squeeze %dma_start3A_25 : memref<1x128xi32, #tpu.memory_space<vmem>> -> memref<128xi32, #tpu.memory_space<vmem>>
    %dma_start3A_27 = arith.constant 0 : i32
    %dma_start3A_28 = arith.constant 0 : i32
    %dma_start3A_29 = tpu.memref_slice %arg2[%dma_start3A_27, %dma_start3A_28] : memref<26000x64xf32, #tpu.memory_space<hbm>> -> memref<26000x64xf32, #tpu.memory_space<hbm>>
    tpu.enqueue_indirect_dma source(%dma_start3A_29 : memref<26000x64xf32, #tpu.memory_space<hbm>>) target(%dma_start3A_23 : memref<128x64xf32, #tpu.memory_space<vmem>>) offsets(%dma_start3A_26 : memref<128xi32, #tpu.memory_space<vmem>>) semaphore(%arg7 : memref<!tpu.dma_semaphore, #tpu.memory_space<semaphore_mem>>)
    %scan3A = arith.constant 0 : i32
    %scan3A_30 = arith.constant 0 : i32
    %scan3A_31 = arith.constant 26 : i32
    %scan3A_32 = arith.addi %scan3A_30, %scan3A_31 : i32
    %scan3A_33 = arith.constant 1 : i32
    scf.for %scan3A_64 = %scan3A_30 to %scan3A_32 step %scan3A_33  : i32 {
      %rem3A = arith.constant 4 : i32
      %rem3A_65 = arith.remsi %scan3A_64, %rem3A : i32
      %dma_wait3A_66 = arith.constant 0 : i32
      %dma_wait3A_67 = arith.constant 0 : i32
      %dma_wait3A_68 = tpu.memref_slice %arg6[%rem3A_65, %dma_wait3A_66, %dma_wait3A_67] : memref<4x128x64xf32, #tpu.memory_space<vmem>> -> memref<1x128x64xf32, #tpu.memory_space<vmem>>
      %dma_wait3A_69 = tpu.memref_squeeze %dma_wait3A_68 : memref<1x128x64xf32, #tpu.memory_space<vmem>> -> memref<128x64xf32, #tpu.memory_space<vmem>>
      %dma_wait3A_70 = arith.constant 0 : i32
      %dma_wait3A_71 = tpu.memref_slice %arg5[%scan3A_64, %dma_wait3A_70] : memref<26x128xi32, #tpu.memory_space<vmem>> -> memref<1x128xi32, #tpu.memory_space<vmem>>
      %dma_wait3A_72 = tpu.memref_squeeze %dma_wait3A_71 : memref<1x128xi32, #tpu.memory_space<vmem>> -> memref<128xi32, #tpu.memory_space<vmem>>
      %dma_wait3A_73 = arith.constant 0 : i32
      %dma_wait3A_74 = arith.constant 0 : i32
      %dma_wait3A_75 = tpu.memref_slice %arg2[%dma_wait3A_73, %dma_wait3A_74] : memref<26000x64xf32, #tpu.memory_space<hbm>> -> memref<26000x64xf32, #tpu.memory_space<hbm>>
      tpu.wait_indirect_dma semaphore(%arg7 : memref<!tpu.dma_semaphore, #tpu.memory_space<semaphore_mem>>) src(%dma_wait3A_75 : memref<26000x64xf32, #tpu.memory_space<hbm>>) dst(%dma_wait3A_69 : memref<128x64xf32, #tpu.memory_space<vmem>>)
      %mul3A_76 = arith.constant 128 : i32
      %mul3A_77 = arith.muli %scan3A_64, %mul3A_76 : i32
      %add3A_78 = arith.addi %mul3A_6, %mul3A_77 : i32
      %dma_start3A_79 = arith.constant 0 : i32
      %dma_start3A_80 = arith.constant 0 : i32
      %dma_start3A_81 = tpu.memref_slice %arg6[%rem3A_65, %dma_start3A_79, %dma_start3A_80] : memref<4x128x64xf32, #tpu.memory_space<vmem>> -> memref<1x128x64xf32, #tpu.memory_space<vmem>>
      %dma_start3A_82 = tpu.memref_squeeze %dma_start3A_81 : memref<1x128x64xf32, #tpu.memory_space<vmem>> -> memref<128x64xf32, #tpu.memory_space<vmem>>
      %dma_start3A_83 = arith.constant 0 : i32
      %dma_start3A_84 = tpu.memref_slice %arg4[%add3A_78, %dma_start3A_83] : memref<106496x64xf32, #tpu.memory_space<hbm>> -> memref<128x64xf32, #tpu.memory_space<hbm>>
      %dma_start3A_85 = arith.constant 0 : i32
      %dma_start3A_86 = tpu.memref_slice %arg4[%add3A_78, %dma_start3A_85] : memref<106496x64xf32, #tpu.memory_space<hbm>> -> memref<128x64xf32, #tpu.memory_space<hbm>>
      %dma_start3A_87 = arith.constant 0 : i32
      %dma_start3A_88 = arith.constant 0 : i32
      %dma_start3A_89 = tpu.memref_slice %arg6[%rem3A_65, %dma_start3A_87, %dma_start3A_88] : memref<4x128x64xf32, #tpu.memory_space<vmem>> -> memref<1x128x64xf32, #tpu.memory_space<vmem>>
      %dma_start3A_90 = tpu.memref_squeeze %dma_start3A_89 : memref<1x128x64xf32, #tpu.memory_space<vmem>> -> memref<128x64xf32, #tpu.memory_space<vmem>>
      tpu.enqueue_dma source(%dma_start3A_90 : memref<128x64xf32, #tpu.memory_space<vmem>>) target(%dma_start3A_86 : memref<128x64xf32, #tpu.memory_space<hbm>>) target_semaphore(%arg8 : memref<!tpu.dma_semaphore, #tpu.memory_space<semaphore_mem>>)
      %ge3A = arith.constant 2 : i32
      %ge3A_91 = arith.cmpi sge, %scan3A_64, %ge3A : i32
      %convert_element_type3A = arith.extui %ge3A_91 : i1 to i32
      %cond3A = arith.constant 0 : i32
      %cond3A_92 = arith.cmpi ne, %convert_element_type3A, %cond3A : i32
      scf.if %cond3A_92 {
        %sub3A = arith.constant 2 : i32
        %sub3A_99 = arith.subi %scan3A_64, %sub3A : i32
        %rem3A_100 = arith.constant 4 : i32
        %rem3A_101 = arith.remsi %sub3A_99, %rem3A_100 : i32
        %sub3A_102 = arith.constant 2 : i32
        %sub3A_103 = arith.subi %scan3A_64, %sub3A_102 : i32
        %mul3A_104 = arith.constant 128 : i32
        %mul3A_105 = arith.muli %sub3A_103, %mul3A_104 : i32
        %add3A_106 = arith.addi %mul3A_6, %mul3A_105 : i32
        %dma_wait3A_107 = arith.constant 0 : i32
        %dma_wait3A_108 = arith.constant 0 : i32
        %dma_wait3A_109 = tpu.memref_slice %arg6[%rem3A_101, %dma_wait3A_107, %dma_wait3A_108] : memref<4x128x64xf32, #tpu.memory_space<vmem>> -> memref<1x128x64xf32, #tpu.memory_space<vmem>>
        %dma_wait3A_110 = tpu.memref_squeeze %dma_wait3A_109 : memref<1x128x64xf32, #tpu.memory_space<vmem>> -> memref<128x64xf32, #tpu.memory_space<vmem>>
        %dma_wait3A_111 = arith.constant 0 : i32
        %dma_wait3A_112 = tpu.memref_slice %arg4[%add3A_106, %dma_wait3A_111] : memref<106496x64xf32, #tpu.memory_space<hbm>> -> memref<128x64xf32, #tpu.memory_space<hbm>>
        %dma_wait3A_113 = arith.constant 0 : i32
        %dma_wait3A_114 = tpu.memref_slice %arg4[%add3A_106, %dma_wait3A_113] : memref<106496x64xf32, #tpu.memory_space<hbm>> -> memref<128x64xf32, #tpu.memory_space<hbm>>
        %dma_wait3A_115 = arith.constant 0 : i32
        %dma_wait3A_116 = arith.constant 0 : i32
        %dma_wait3A_117 = tpu.memref_slice %arg6[%rem3A_101, %dma_wait3A_115, %dma_wait3A_116] : memref<4x128x64xf32, #tpu.memory_space<vmem>> -> memref<1x128x64xf32, #tpu.memory_space<vmem>>
        %dma_wait3A_118 = tpu.memref_squeeze %dma_wait3A_117 : memref<1x128x64xf32, #tpu.memory_space<vmem>> -> memref<128x64xf32, #tpu.memory_space<vmem>>
        tpu.wait_dma2 semaphore(%arg8 : memref<!tpu.dma_semaphore, #tpu.memory_space<semaphore_mem>>) src(%dma_wait3A_118 : memref<128x64xf32, #tpu.memory_space<vmem>>) dst(%dma_wait3A_114 : memref<128x64xf32, #tpu.memory_space<hbm>>)
      } else {
      }
      %add3A_93 = arith.constant 2 : i32
      %add3A_94 = arith.addi %scan3A_64, %add3A_93 : i32
      %lt3A = arith.constant 26 : i32
      %lt3A_95 = arith.cmpi slt, %add3A_94, %lt3A : i32
      %convert_element_type3A_96 = arith.extui %lt3A_95 : i1 to i32
      %cond3A_97 = arith.constant 0 : i32
      %cond3A_98 = arith.cmpi ne, %convert_element_type3A_96, %cond3A_97 : i32
      scf.if %cond3A_98 {
        %add3A_99 = arith.constant 2 : i32
        %add3A_100 = arith.addi %scan3A_64, %add3A_99 : i32
        %add3A_101 = arith.constant 2 : i32
        %add3A_102 = arith.addi %scan3A_64, %add3A_101 : i32
        %rem3A_103 = arith.constant 4 : i32
        %rem3A_104 = arith.remsi %add3A_102, %rem3A_103 : i32
        %dma_start3A_105 = arith.constant 0 : i32
        %dma_start3A_106 = arith.constant 0 : i32
        %dma_start3A_107 = tpu.memref_slice %arg6[%rem3A_104, %dma_start3A_105, %dma_start3A_106] : memref<4x128x64xf32, #tpu.memory_space<vmem>> -> memref<1x128x64xf32, #tpu.memory_space<vmem>>
        %dma_start3A_108 = tpu.memref_squeeze %dma_start3A_107 : memref<1x128x64xf32, #tpu.memory_space<vmem>> -> memref<128x64xf32, #tpu.memory_space<vmem>>
        %dma_start3A_109 = arith.constant 0 : i32
        %dma_start3A_110 = tpu.memref_slice %arg5[%add3A_100, %dma_start3A_109] : memref<26x128xi32, #tpu.memory_space<vmem>> -> memref<1x128xi32, #tpu.memory_space<vmem>>
        %dma_start3A_111 = tpu.memref_squeeze %dma_start3A_110 : memref<1x128xi32, #tpu.memory_space<vmem>> -> memref<128xi32, #tpu.memory_space<vmem>>
        %dma_start3A_112 = arith.constant 0 : i32
        %dma_start3A_113 = arith.constant 0 : i32
        %dma_start3A_114 = tpu.memref_slice %arg2[%dma_start3A_112, %dma_start3A_113] : memref<26000x64xf32, #tpu.memory_space<hbm>> -> memref<26000x64xf32, #tpu.memory_space<hbm>>
        tpu.enqueue_indirect_dma source(%dma_start3A_114 : memref<26000x64xf32, #tpu.memory_space<hbm>>) target(%dma_start3A_108 : memref<128x64xf32, #tpu.memory_space<vmem>>) offsets(%dma_start3A_111 : memref<128xi32, #tpu.memory_space<vmem>>) semaphore(%arg7 : memref<!tpu.dma_semaphore, #tpu.memory_space<semaphore_mem>>)
      } else {
      }
    }
    %scan3A_34 = arith.constant 26 : i32
    %add3A_35 = arith.constant 3072 : i32
    %add3A_36 = arith.addi %mul3A_6, %add3A_35 : i32
    %dma_wait3A = arith.constant 0 : i32
    %dma_wait3A_37 = arith.constant 0 : i32
    %dma_wait3A_38 = arith.constant 0 : i32
    %dma_wait3A_39 = tpu.memref_slice %arg6[%dma_wait3A, %dma_wait3A_37, %dma_wait3A_38] : memref<4x128x64xf32, #tpu.memory_space<vmem>> -> memref<1x128x64xf32, #tpu.memory_space<vmem>>
    %dma_wait3A_40 = tpu.memref_squeeze %dma_wait3A_39 : memref<1x128x64xf32, #tpu.memory_space<vmem>> -> memref<128x64xf32, #tpu.memory_space<vmem>>
    %dma_wait3A_41 = arith.constant 0 : i32
    %dma_wait3A_42 = tpu.memref_slice %arg4[%add3A_36, %dma_wait3A_41] : memref<106496x64xf32, #tpu.memory_space<hbm>> -> memref<128x64xf32, #tpu.memory_space<hbm>>
    %dma_wait3A_43 = arith.constant 0 : i32
    %dma_wait3A_44 = tpu.memref_slice %arg4[%add3A_36, %dma_wait3A_43] : memref<106496x64xf32, #tpu.memory_space<hbm>> -> memref<128x64xf32, #tpu.memory_space<hbm>>
    %dma_wait3A_45 = arith.constant 0 : i32
    %dma_wait3A_46 = arith.constant 0 : i32
    %dma_wait3A_47 = tpu.memref_slice %arg6[%dma_wait3A, %dma_wait3A_45, %dma_wait3A_46] : memref<4x128x64xf32, #tpu.memory_space<vmem>> -> memref<1x128x64xf32, #tpu.memory_space<vmem>>
    %dma_wait3A_48 = tpu.memref_squeeze %dma_wait3A_47 : memref<1x128x64xf32, #tpu.memory_space<vmem>> -> memref<128x64xf32, #tpu.memory_space<vmem>>
    tpu.wait_dma2 semaphore(%arg8 : memref<!tpu.dma_semaphore, #tpu.memory_space<semaphore_mem>>) src(%dma_wait3A_48 : memref<128x64xf32, #tpu.memory_space<vmem>>) dst(%dma_wait3A_44 : memref<128x64xf32, #tpu.memory_space<hbm>>)
    %add3A_49 = arith.constant 3200 : i32
    %add3A_50 = arith.addi %mul3A_6, %add3A_49 : i32
    %dma_wait3A_51 = arith.constant 1 : i32
    %dma_wait3A_52 = arith.constant 0 : i32
    %dma_wait3A_53 = arith.constant 0 : i32
    %dma_wait3A_54 = tpu.memref_slice %arg6[%dma_wait3A_51, %dma_wait3A_52, %dma_wait3A_53] : memref<4x128x64xf32, #tpu.memory_space<vmem>> -> memref<1x128x64xf32, #tpu.memory_space<vmem>>
    %dma_wait3A_55 = tpu.memref_squeeze %dma_wait3A_54 : memref<1x128x64xf32, #tpu.memory_space<vmem>> -> memref<128x64xf32, #tpu.memory_space<vmem>>
    %dma_wait3A_56 = arith.constant 0 : i32
    %dma_wait3A_57 = tpu.memref_slice %arg4[%add3A_50, %dma_wait3A_56] : memref<106496x64xf32, #tpu.memory_space<hbm>> -> memref<128x64xf32, #tpu.memory_space<hbm>>
    %dma_wait3A_58 = arith.constant 0 : i32
    %dma_wait3A_59 = tpu.memref_slice %arg4[%add3A_50, %dma_wait3A_58] : memref<106496x64xf32, #tpu.memory_space<hbm>> -> memref<128x64xf32, #tpu.memory_space<hbm>>
    %dma_wait3A_60 = arith.constant 0 : i32
    %dma_wait3A_61 = arith.constant 0 : i32
    %dma_wait3A_62 = tpu.memref_slice %arg6[%dma_wait3A_51, %dma_wait3A_60, %dma_wait3A_61] : memref<4x128x64xf32, #tpu.memory_space<vmem>> -> memref<1x128x64xf32, #tpu.memory_space<vmem>>
    %dma_wait3A_63 = tpu.memref_squeeze %dma_wait3A_62 : memref<1x128x64xf32, #tpu.memory_space<vmem>> -> memref<128x64xf32, #tpu.memory_space<vmem>>
    tpu.wait_dma2 semaphore(%arg8 : memref<!tpu.dma_semaphore, #tpu.memory_space<semaphore_mem>>) src(%dma_wait3A_63 : memref<128x64xf32, #tpu.memory_space<vmem>>) dst(%dma_wait3A_59 : memref<128x64xf32, #tpu.memory_space<hbm>>)
    return
  }
}

#map = affine_map<(d0, d1) -> (0, 0)>
module attributes {stable_mosaic.version = 14 : i64} {
  func.func @_sc_gather(%arg0: i32, %arg1: i32, %arg2: memref<26000x64xf32, #tpu.memory_space<hbm>>, %arg3: memref<832x128xi32, #tpu.memory_space<hbm>>, %arg4: memref<106496x64xf32, #tpu.memory_space<hbm>>, %arg5: memref<26x128xi32, #tpu.memory_space<vmem>>, %arg6: memref<4x128x64xf32, #tpu.memory_space<vmem>>, %arg7: memref<!tpu.dma_semaphore, #tpu.memory_space<semaphore_mem>>, %arg8: memref<!tpu.dma_semaphore, #tpu.memory_space<semaphore_mem>>) attributes {dimension_semantics = [#tpu.dimension_semantics<core_parallel>, #tpu.dimension_semantics<subcore_parallel>], iteration_bounds = array<i64: 2, 16>, scalar_prefetch = 0 : i64, scratch_operands = 4 : i64, tpu.core_type = #tpu.core_type<sc_vector_subcore>, window_params = [{transform_indices = #map}, {transform_indices = #map}, {transform_indices = #map}]} {
    %mul3A = arith.constant 2 : i32
    %mul3A_0 = arith.muli %arg1, %mul3A : i32
    %add3A = arith.addi %mul3A_0, %arg0 : i32
    %mul3A_1 = arith.constant 26 : i32
    %mul3A_2 = arith.muli %add3A, %mul3A_1 : i32
    "tpu.region"() ({
      %run_scoped3A = tpu.sem_alloc : memref<!tpu.dma_semaphore, #tpu.memory_space<semaphore_mem>>
      %dma_start3A_64 = arith.constant 0 : i32
      %dma_start3A_65 = tpu.memref_slice %arg3[%mul3A_2, %dma_start3A_64] : memref<832x128xi32, #tpu.memory_space<hbm>> -> memref<26x128xi32, #tpu.memory_space<hbm>>
      %dma_start3A_66 = arith.constant 0 : i32
      %dma_start3A_67 = tpu.memref_slice %arg3[%mul3A_2, %dma_start3A_66] : memref<832x128xi32, #tpu.memory_space<hbm>> -> memref<26x128xi32, #tpu.memory_space<hbm>>
      tpu.enqueue_dma source(%dma_start3A_67 : memref<26x128xi32, #tpu.memory_space<hbm>>) target(%arg5 : memref<26x128xi32, #tpu.memory_space<vmem>>) target_semaphore(%run_scoped3A : memref<!tpu.dma_semaphore, #tpu.memory_space<semaphore_mem>>)
      %dma_wait3A_68 = arith.constant 0 : i32
      %dma_wait3A_69 = tpu.memref_slice %arg3[%mul3A_2, %dma_wait3A_68] : memref<832x128xi32, #tpu.memory_space<hbm>> -> memref<26x128xi32, #tpu.memory_space<hbm>>
      %dma_wait3A_70 = arith.constant 0 : i32
      %dma_wait3A_71 = tpu.memref_slice %arg3[%mul3A_2, %dma_wait3A_70] : memref<832x128xi32, #tpu.memory_space<hbm>> -> memref<26x128xi32, #tpu.memory_space<hbm>>
      tpu.wait_dma2 semaphore(%run_scoped3A : memref<!tpu.dma_semaphore, #tpu.memory_space<semaphore_mem>>) src(%dma_wait3A_71 : memref<26x128xi32, #tpu.memory_space<hbm>>) dst(%arg5 : memref<26x128xi32, #tpu.memory_space<vmem>>)
      tpu.yield
    }) : () -> ()
    %mul3A_3 = arith.constant 26 : i32
    %mul3A_4 = arith.muli %add3A, %mul3A_3 : i32
    %mul3A_5 = arith.constant 128 : i32
    %mul3A_6 = arith.muli %mul3A_4, %mul3A_5 : i32
    %dma_start3A = arith.constant 0 : i32
    %dma_start3A_7 = arith.constant 0 : i32
    %dma_start3A_8 = arith.constant 0 : i32
    %dma_start3A_9 = arith.constant 0 : i32
    %dma_start3A_10 = tpu.memref_slice %arg6[%dma_start3A_7, %dma_start3A_8, %dma_start3A_9] : memref<4x128x64xf32, #tpu.memory_space<vmem>> -> memref<1x128x64xf32, #tpu.memory_space<vmem>>
    %dma_start3A_11 = tpu.memref_squeeze %dma_start3A_10 : memref<1x128x64xf32, #tpu.memory_space<vmem>> -> memref<128x64xf32, #tpu.memory_space<vmem>>
    %dma_start3A_12 = arith.constant 0 : i32
    %dma_start3A_13 = tpu.memref_slice %arg5[%dma_start3A, %dma_start3A_12] : memref<26x128xi32, #tpu.memory_space<vmem>> -> memref<1x128xi32, #tpu.memory_space<vmem>>
    %dma_start3A_14 = tpu.memref_squeeze %dma_start3A_13 : memref<1x128xi32, #tpu.memory_space<vmem>> -> memref<128xi32, #tpu.memory_space<vmem>>
    %dma_start3A_15 = arith.constant 0 : i32
    %dma_start3A_16 = arith.constant 0 : i32
    %dma_start3A_17 = tpu.memref_slice %arg2[%dma_start3A_15, %dma_start3A_16] : memref<26000x64xf32, #tpu.memory_space<hbm>> -> memref<26000x64xf32, #tpu.memory_space<hbm>>
    tpu.enqueue_indirect_dma source(%dma_start3A_17 : memref<26000x64xf32, #tpu.memory_space<hbm>>) target(%dma_start3A_11 : memref<128x64xf32, #tpu.memory_space<vmem>>) offsets(%dma_start3A_14 : memref<128xi32, #tpu.memory_space<vmem>>) semaphore(%arg7 : memref<!tpu.dma_semaphore, #tpu.memory_space<semaphore_mem>>)
    %dma_start3A_18 = arith.constant 1 : i32
    %dma_start3A_19 = arith.constant 1 : i32
    %dma_start3A_20 = arith.constant 0 : i32
    %dma_start3A_21 = arith.constant 0 : i32
    %dma_start3A_22 = tpu.memref_slice %arg6[%dma_start3A_19, %dma_start3A_20, %dma_start3A_21] : memref<4x128x64xf32, #tpu.memory_space<vmem>> -> memref<1x128x64xf32, #tpu.memory_space<vmem>>
    %dma_start3A_23 = tpu.memref_squeeze %dma_start3A_22 : memref<1x128x64xf32, #tpu.memory_space<vmem>> -> memref<128x64xf32, #tpu.memory_space<vmem>>
    %dma_start3A_24 = arith.constant 0 : i32
    %dma_start3A_25 = tpu.memref_slice %arg5[%dma_start3A_18, %dma_start3A_24] : memref<26x128xi32, #tpu.memory_space<vmem>> -> memref<1x128xi32, #tpu.memory_space<vmem>>
    %dma_start3A_26 = tpu.memref_squeeze %dma_start3A_25 : memref<1x128xi32, #tpu.memory_space<vmem>> -> memref<128xi32, #tpu.memory_space<vmem>>
    %dma_start3A_27 = arith.constant 0 : i32
    %dma_start3A_28 = arith.constant 0 : i32
    %dma_start3A_29 = tpu.memref_slice %arg2[%dma_start3A_27, %dma_start3A_28] : memref<26000x64xf32, #tpu.memory_space<hbm>> -> memref<26000x64xf32, #tpu.memory_space<hbm>>
    tpu.enqueue_indirect_dma source(%dma_start3A_29 : memref<26000x64xf32, #tpu.memory_space<hbm>>) target(%dma_start3A_23 : memref<128x64xf32, #tpu.memory_space<vmem>>) offsets(%dma_start3A_26 : memref<128xi32, #tpu.memory_space<vmem>>) semaphore(%arg7 : memref<!tpu.dma_semaphore, #tpu.memory_space<semaphore_mem>>)
    %scan3A = arith.constant 0 : i32
    %scan3A_30 = arith.constant 0 : i32
    %scan3A_31 = arith.constant 26 : i32
    %scan3A_32 = arith.addi %scan3A_30, %scan3A_31 : i32
    %scan3A_33 = arith.constant 1 : i32
    scf.for %scan3A_64 = %scan3A_30 to %scan3A_32 step %scan3A_33  : i32 {
      %rem3A = arith.constant 4 : i32
      %rem3A_65 = arith.remsi %scan3A_64, %rem3A : i32
      %dma_wait3A_66 = arith.constant 0 : i32
      %dma_wait3A_67 = arith.constant 0 : i32
      %dma_wait3A_68 = tpu.memref_slice %arg6[%rem3A_65, %dma_wait3A_66, %dma_wait3A_67] : memref<4x128x64xf32, #tpu.memory_space<vmem>> -> memref<1x128x64xf32, #tpu.memory_space<vmem>>
      %dma_wait3A_69 = tpu.memref_squeeze %dma_wait3A_68 : memref<1x128x64xf32, #tpu.memory_space<vmem>> -> memref<128x64xf32, #tpu.memory_space<vmem>>
      %dma_wait3A_70 = arith.constant 0 : i32
      %dma_wait3A_71 = tpu.memref_slice %arg5[%scan3A_64, %dma_wait3A_70] : memref<26x128xi32, #tpu.memory_space<vmem>> -> memref<1x128xi32, #tpu.memory_space<vmem>>
      %dma_wait3A_72 = tpu.memref_squeeze %dma_wait3A_71 : memref<1x128xi32, #tpu.memory_space<vmem>> -> memref<128xi32, #tpu.memory_space<vmem>>
      %dma_wait3A_73 = arith.constant 0 : i32
      %dma_wait3A_74 = arith.constant 0 : i32
      %dma_wait3A_75 = tpu.memref_slice %arg2[%dma_wait3A_73, %dma_wait3A_74] : memref<26000x64xf32, #tpu.memory_space<hbm>> -> memref<26000x64xf32, #tpu.memory_space<hbm>>
      tpu.wait_indirect_dma semaphore(%arg7 : memref<!tpu.dma_semaphore, #tpu.memory_space<semaphore_mem>>) src(%dma_wait3A_75 : memref<26000x64xf32, #tpu.memory_space<hbm>>) dst(%dma_wait3A_69 : memref<128x64xf32, #tpu.memory_space<vmem>>)
      %mul3A_76 = arith.constant 128 : i32
      %mul3A_77 = arith.muli %scan3A_64, %mul3A_76 : i32
      %add3A_78 = arith.addi %mul3A_6, %mul3A_77 : i32
      %dma_start3A_79 = arith.constant 0 : i32
      %dma_start3A_80 = arith.constant 0 : i32
      %dma_start3A_81 = tpu.memref_slice %arg6[%rem3A_65, %dma_start3A_79, %dma_start3A_80] : memref<4x128x64xf32, #tpu.memory_space<vmem>> -> memref<1x128x64xf32, #tpu.memory_space<vmem>>
      %dma_start3A_82 = tpu.memref_squeeze %dma_start3A_81 : memref<1x128x64xf32, #tpu.memory_space<vmem>> -> memref<128x64xf32, #tpu.memory_space<vmem>>
      %dma_start3A_83 = arith.constant 0 : i32
      %dma_start3A_84 = tpu.memref_slice %arg4[%add3A_78, %dma_start3A_83] : memref<106496x64xf32, #tpu.memory_space<hbm>> -> memref<128x64xf32, #tpu.memory_space<hbm>>
      %dma_start3A_85 = arith.constant 0 : i32
      %dma_start3A_86 = tpu.memref_slice %arg4[%add3A_78, %dma_start3A_85] : memref<106496x64xf32, #tpu.memory_space<hbm>> -> memref<128x64xf32, #tpu.memory_space<hbm>>
      %dma_start3A_87 = arith.constant 0 : i32
      %dma_start3A_88 = arith.constant 0 : i32
      %dma_start3A_89 = tpu.memref_slice %arg6[%rem3A_65, %dma_start3A_87, %dma_start3A_88] : memref<4x128x64xf32, #tpu.memory_space<vmem>> -> memref<1x128x64xf32, #tpu.memory_space<vmem>>
      %dma_start3A_90 = tpu.memref_squeeze %dma_start3A_89 : memref<1x128x64xf32, #tpu.memory_space<vmem>> -> memref<128x64xf32, #tpu.memory_space<vmem>>
      tpu.enqueue_dma source(%dma_start3A_90 : memref<128x64xf32, #tpu.memory_space<vmem>>) target(%dma_start3A_86 : memref<128x64xf32, #tpu.memory_space<hbm>>) target_semaphore(%arg8 : memref<!tpu.dma_semaphore, #tpu.memory_space<semaphore_mem>>)
      %ge3A = arith.constant 2 : i32
      %ge3A_91 = arith.cmpi sge, %scan3A_64, %ge3A : i32
      %convert_element_type3A = arith.extui %ge3A_91 : i1 to i32
      %cond3A = arith.constant 0 : i32
      %cond3A_92 = arith.cmpi ne, %convert_element_type3A, %cond3A : i32
      scf.if %cond3A_92 {
        %sub3A = arith.constant 2 : i32
        %sub3A_99 = arith.subi %scan3A_64, %sub3A : i32
        %rem3A_100 = arith.constant 4 : i32
        %rem3A_101 = arith.remsi %sub3A_99, %rem3A_100 : i32
        %sub3A_102 = arith.constant 2 : i32
        %sub3A_103 = arith.subi %scan3A_64, %sub3A_102 : i32
        %mul3A_104 = arith.constant 128 : i32
        %mul3A_105 = arith.muli %sub3A_103, %mul3A_104 : i32
        %add3A_106 = arith.addi %mul3A_6, %mul3A_105 : i32
        %dma_wait3A_107 = arith.constant 0 : i32
        %dma_wait3A_108 = arith.constant 0 : i32
        %dma_wait3A_109 = tpu.memref_slice %arg6[%rem3A_101, %dma_wait3A_107, %dma_wait3A_108] : memref<4x128x64xf32, #tpu.memory_space<vmem>> -> memref<1x128x64xf32, #tpu.memory_space<vmem>>
        %dma_wait3A_110 = tpu.memref_squeeze %dma_wait3A_109 : memref<1x128x64xf32, #tpu.memory_space<vmem>> -> memref<128x64xf32, #tpu.memory_space<vmem>>
        %dma_wait3A_111 = arith.constant 0 : i32
        %dma_wait3A_112 = tpu.memref_slice %arg4[%add3A_106, %dma_wait3A_111] : memref<106496x64xf32, #tpu.memory_space<hbm>> -> memref<128x64xf32, #tpu.memory_space<hbm>>
        %dma_wait3A_113 = arith.constant 0 : i32
        %dma_wait3A_114 = tpu.memref_slice %arg4[%add3A_106, %dma_wait3A_113] : memref<106496x64xf32, #tpu.memory_space<hbm>> -> memref<128x64xf32, #tpu.memory_space<hbm>>
        %dma_wait3A_115 = arith.constant 0 : i32
        %dma_wait3A_116 = arith.constant 0 : i32
        %dma_wait3A_117 = tpu.memref_slice %arg6[%rem3A_101, %dma_wait3A_115, %dma_wait3A_116] : memref<4x128x64xf32, #tpu.memory_space<vmem>> -> memref<1x128x64xf32, #tpu.memory_space<vmem>>
        %dma_wait3A_118 = tpu.memref_squeeze %dma_wait3A_117 : memref<1x128x64xf32, #tpu.memory_space<vmem>> -> memref<128x64xf32, #tpu.memory_space<vmem>>
        tpu.wait_dma2 semaphore(%arg8 : memref<!tpu.dma_semaphore, #tpu.memory_space<semaphore_mem>>) src(%dma_wait3A_118 : memref<128x64xf32, #tpu.memory_space<vmem>>) dst(%dma_wait3A_114 : memref<128x64xf32, #tpu.memory_space<hbm>>)
      } else {
      }
      %add3A_93 = arith.constant 2 : i32
      %add3A_94 = arith.addi %scan3A_64, %add3A_93 : i32
      %lt3A = arith.constant 26 : i32
      %lt3A_95 = arith.cmpi slt, %add3A_94, %lt3A : i32
      %convert_element_type3A_96 = arith.extui %lt3A_95 : i1 to i32
      %cond3A_97 = arith.constant 0 : i32
      %cond3A_98 = arith.cmpi ne, %convert_element_type3A_96, %cond3A_97 : i32
      scf.if %cond3A_98 {
        %add3A_99 = arith.constant 2 : i32
        %add3A_100 = arith.addi %scan3A_64, %add3A_99 : i32
        %add3A_101 = arith.constant 2 : i32
        %add3A_102 = arith.addi %scan3A_64, %add3A_101 : i32
        %rem3A_103 = arith.constant 4 : i32
        %rem3A_104 = arith.remsi %add3A_102, %rem3A_103 : i32
        %dma_start3A_105 = arith.constant 0 : i32
        %dma_start3A_106 = arith.constant 0 : i32
        %dma_start3A_107 = tpu.memref_slice %arg6[%rem3A_104, %dma_start3A_105, %dma_start3A_106] : memref<4x128x64xf32, #tpu.memory_space<vmem>> -> memref<1x128x64xf32, #tpu.memory_space<vmem>>
        %dma_start3A_108 = tpu.memref_squeeze %dma_start3A_107 : memref<1x128x64xf32, #tpu.memory_space<vmem>> -> memref<128x64xf32, #tpu.memory_space<vmem>>
        %dma_start3A_109 = arith.constant 0 : i32
        %dma_start3A_110 = tpu.memref_slice %arg5[%add3A_100, %dma_start3A_109] : memref<26x128xi32, #tpu.memory_space<vmem>> -> memref<1x128xi32, #tpu.memory_space<vmem>>
        %dma_start3A_111 = tpu.memref_squeeze %dma_start3A_110 : memref<1x128xi32, #tpu.memory_space<vmem>> -> memref<128xi32, #tpu.memory_space<vmem>>
        %dma_start3A_112 = arith.constant 0 : i32
        %dma_start3A_113 = arith.constant 0 : i32
        %dma_start3A_114 = tpu.memref_slice %arg2[%dma_start3A_112, %dma_start3A_113] : memref<26000x64xf32, #tpu.memory_space<hbm>> -> memref<26000x64xf32, #tpu.memory_space<hbm>>
        tpu.enqueue_indirect_dma source(%dma_start3A_114 : memref<26000x64xf32, #tpu.memory_space<hbm>>) target(%dma_start3A_108 : memref<128x64xf32, #tpu.memory_space<vmem>>) offsets(%dma_start3A_111 : memref<128xi32, #tpu.memory_space<vmem>>) semaphore(%arg7 : memref<!tpu.dma_semaphore, #tpu.memory_space<semaphore_mem>>)
      } else {
      }
    }
    %scan3A_34 = arith.constant 26 : i32
    %add3A_35 = arith.constant 3072 : i32
    %add3A_36 = arith.addi %mul3A_6, %add3A_35 : i32
    %dma_wait3A = arith.constant 0 : i32
    %dma_wait3A_37 = arith.constant 0 : i32
    %dma_wait3A_38 = arith.constant 0 : i32
    %dma_wait3A_39 = tpu.memref_slice %arg6[%dma_wait3A, %dma_wait3A_37, %dma_wait3A_38] : memref<4x128x64xf32, #tpu.memory_space<vmem>> -> memref<1x128x64xf32, #tpu.memory_space<vmem>>
    %dma_wait3A_40 = tpu.memref_squeeze %dma_wait3A_39 : memref<1x128x64xf32, #tpu.memory_space<vmem>> -> memref<128x64xf32, #tpu.memory_space<vmem>>
    %dma_wait3A_41 = arith.constant 0 : i32
    %dma_wait3A_42 = tpu.memref_slice %arg4[%add3A_36, %dma_wait3A_41] : memref<106496x64xf32, #tpu.memory_space<hbm>> -> memref<128x64xf32, #tpu.memory_space<hbm>>
    %dma_wait3A_43 = arith.constant 0 : i32
    %dma_wait3A_44 = tpu.memref_slice %arg4[%add3A_36, %dma_wait3A_43] : memref<106496x64xf32, #tpu.memory_space<hbm>> -> memref<128x64xf32, #tpu.memory_space<hbm>>
    %dma_wait3A_45 = arith.constant 0 : i32
    %dma_wait3A_46 = arith.constant 0 : i32
    %dma_wait3A_47 = tpu.memref_slice %arg6[%dma_wait3A, %dma_wait3A_45, %dma_wait3A_46] : memref<4x128x64xf32, #tpu.memory_space<vmem>> -> memref<1x128x64xf32, #tpu.memory_space<vmem>>
    %dma_wait3A_48 = tpu.memref_squeeze %dma_wait3A_47 : memref<1x128x64xf32, #tpu.memory_space<vmem>> -> memref<128x64xf32, #tpu.memory_space<vmem>>
    tpu.wait_dma2 semaphore(%arg8 : memref<!tpu.dma_semaphore, #tpu.memory_space<semaphore_mem>>) src(%dma_wait3A_48 : memref<128x64xf32, #tpu.memory_space<vmem>>) dst(%dma_wait3A_44 : memref<128x64xf32, #tpu.memory_space<hbm>>)
    %add3A_49 = arith.constant 3200 : i32
    %add3A_50 = arith.addi %mul3A_6, %add3A_49 : i32
    %dma_wait3A_51 = arith.constant 1 : i32
    %dma_wait3A_52 = arith.constant 0 : i32
    %dma_wait3A_53 = arith.constant 0 : i32
    %dma_wait3A_54 = tpu.memref_slice %arg6[%dma_wait3A_51, %dma_wait3A_52, %dma_wait3A_53] : memref<4x128x64xf32, #tpu.memory_space<vmem>> -> memref<1x128x64xf32, #tpu.memory_space<vmem>>
    %dma_wait3A_55 = tpu.memref_squeeze %dma_wait3A_54 : memref<1x128x64xf32, #tpu.memory_space<vmem>> -> memref<128x64xf32, #tpu.memory_space<vmem>>
    %dma_wait3A_56 = arith.constant 0 : i32
    %dma_wait3A_57 = tpu.memref_slice %arg4[%add3A_50, %dma_wait3A_56] : memref<106496x64xf32, #tpu.memory_space<hbm>> -> memref<128x64xf32, #tpu.memory_space<hbm>>
    %dma_wait3A_58 = arith.constant 0 : i32
    %dma_wait3A_59 = tpu.memref_slice %arg4[%add3A_50, %dma_wait3A_58] : memref<106496x64xf32, #tpu.memory_space<hbm>> -> memref<128x64xf32, #tpu.memory_space<hbm>>
    %dma_wait3A_60 = arith.constant 0 : i32
    %dma_wait3A_61 = arith.constant 0 : i32
    %dma_wait3A_62 = tpu.memref_slice %arg6[%dma_wait3A_51, %dma_wait3A_60, %dma_wait3A_61] : memref<4x128x64xf32, #tpu.memory_space<vmem>> -> memref<1x128x64xf32, #tpu.memory_space<vmem>>
    %dma_wait3A_63 = tpu.memref_squeeze %dma_wait3A_62 : memref<1x128x64xf32, #tpu.memory_space<vmem>> -> memref<128x64xf32, #tpu.memory_space<vmem>>
    tpu.wait_dma2 semaphore(%arg8 : memref<!tpu.dma_semaphore, #tpu.memory_space<semaphore_mem>>) src(%dma_wait3A_63 : memref<128x64xf32, #tpu.memory_space<vmem>>) dst(%dma_wait3A_59 : memref<128x64xf32, #tpu.memory_space<hbm>>)
    return
  }
}

module attributes {stable_mosaic.version = 14 : i64} {
  func.func @_mlp_body(%arg0: i32, %arg1: memref<13x512x128xf32, #tpu.memory_space<vmem>>, %arg2: memref<512x128xf32, #tpu.memory_space<vmem>>, %arg3: memref<1x128xf32, #tpu.memory_space<vmem>>, %arg4: memref<1x128xf32, #tpu.memory_space<vmem>>, %arg5: memref<1664x1024xbf16, #tpu.memory_space<vmem>>, %arg6: memref<128x1024xf32, #tpu.memory_space<vmem>>, %arg7: memref<1x1024xf32, #tpu.memory_space<vmem>>, %arg8: memref<1x1024xf32, #tpu.memory_space<vmem>>, %arg9: memref<1x1xf32, #tpu.memory_space<vmem>>, %arg10: memref<512x1xf32, #tpu.memory_space<vmem>>) attributes {dimension_semantics = [#tpu.dimension_semantics<arbitrary>], iteration_bounds = array<i64: 8>, scalar_prefetch = 0 : i64, scratch_operands = 0 : i64, tpu.core_type = #tpu.core_type<tc>, window_params = [{transform_indices = @transform_0, window_bounds = array<i64: 13, 512, 128>}, {transform_indices = @transform_1, window_bounds = array<i64: 512, 128>}, {pipeline_mode = #tpu.pipeline_mode<synchronous>, transform_indices = @transform_2, window_bounds = array<i64: 1, 128>}, {pipeline_mode = #tpu.pipeline_mode<synchronous>, transform_indices = @transform_3, window_bounds = array<i64: 1, 128>}, {pipeline_mode = #tpu.pipeline_mode<synchronous>, transform_indices = @transform_4, window_bounds = array<i64: 1664, 1024>}, {pipeline_mode = #tpu.pipeline_mode<synchronous>, transform_indices = @transform_5, window_bounds = array<i64: 128, 1024>}, {pipeline_mode = #tpu.pipeline_mode<synchronous>, transform_indices = @transform_6, window_bounds = array<i64: 1, 1024>}, {pipeline_mode = #tpu.pipeline_mode<synchronous>, transform_indices = @transform_7, window_bounds = array<i64: 1, 1024>}, {pipeline_mode = #tpu.pipeline_mode<synchronous>, transform_indices = @transform_8, window_bounds = array<i64: 1, 1>}, {transform_indices = @transform_9, window_bounds = array<i64: 512, 1>}]} {
    %get3A = arith.constant 0 : index
    %get3A_0 = arith.constant 0 : index
    %get3A_1 = vector.load %arg2[%get3A, %get3A_0] : memref<512x128xf32, #tpu.memory_space<vmem>>, vector<512x128xf32>
    %get3A_2 = arith.constant 0 : index
    %get3A_3 = arith.constant 0 : index
    %get3A_4 = vector.load %arg3[%get3A_2, %get3A_3] : memref<1x128xf32, #tpu.memory_space<vmem>>, vector<1x128xf32>
    %sub3A = vector.broadcast %get3A_4 : vector<1x128xf32> to vector<512x128xf32>
    %sub3A_5 = arith.subf %get3A_1, %sub3A : vector<512x128xf32>
    %get3A_6 = arith.constant 0 : index
    %get3A_7 = arith.constant 0 : index
    %get3A_8 = vector.load %arg4[%get3A_6, %get3A_7] : memref<1x128xf32, #tpu.memory_space<vmem>>, vector<1x128xf32>
    %div3A = vector.broadcast %get3A_8 : vector<1x128xf32> to vector<512x128xf32>
    %div3A_9 = arith.divf %sub3A_5, %div3A : vector<512x128xf32>
    %get3A_10 = arith.constant 0 : index
    %get3A_11 = arith.constant 0 : index
    %get3A_12 = vector.load %arg6[%get3A_10, %get3A_11] : memref<128x1024xf32, #tpu.memory_space<vmem>>, vector<128x1024xf32>
    %dot_general3A = arith.constant dense<0.000000e+00> : vector<512x1024xf32>
    %dot_general3A_13 = tpu.matmul %div3A_9, %get3A_12, %dot_general3A {dimension_numbers = #tpu.dot_dimension_numbers<[1], [0], [0], [1], [0, 0, 1, 1], [], []>, transpose_lhs_hint = false} : vector<512x128xf32>, vector<128x1024xf32>, vector<512x1024xf32> -> vector<512x1024xf32>
    %get3A_14 = arith.constant 0 : index
    %get3A_15 = arith.constant 0 : index
    %get3A_16 = arith.constant 0 : index
    %get3A_17 = vector.load %arg1[%get3A_14, %get3A_15, %get3A_16] : memref<13x512x128xf32, #tpu.memory_space<vmem>>, vector<1x512x128xf32>
    %get3A_18 = vector.shape_cast %get3A_17 : vector<1x512x128xf32> to vector<512x128xf32>
    %convert_element_type3A = arith.truncf %get3A_18 : vector<512x128xf32> to vector<512x128xbf16>
    %get3A_19 = arith.constant 1 : index
    %get3A_20 = arith.constant 0 : index
    %get3A_21 = arith.constant 0 : index
    %get3A_22 = vector.load %arg1[%get3A_19, %get3A_20, %get3A_21] : memref<13x512x128xf32, #tpu.memory_space<vmem>>, vector<1x512x128xf32>
    %get3A_23 = vector.shape_cast %get3A_22 : vector<1x512x128xf32> to vector<512x128xf32>
    %convert_element_type3A_24 = arith.truncf %get3A_23 : vector<512x128xf32> to vector<512x128xbf16>
    %get3A_25 = arith.constant 2 : index
    %get3A_26 = arith.constant 0 : index
    %get3A_27 = arith.constant 0 : index
    %get3A_28 = vector.load %arg1[%get3A_25, %get3A_26, %get3A_27] : memref<13x512x128xf32, #tpu.memory_space<vmem>>, vector<1x512x128xf32>
    %get3A_29 = vector.shape_cast %get3A_28 : vector<1x512x128xf32> to vector<512x128xf32>
    %convert_element_type3A_30 = arith.truncf %get3A_29 : vector<512x128xf32> to vector<512x128xbf16>
    %get3A_31 = arith.constant 3 : index
    %get3A_32 = arith.constant 0 : index
    %get3A_33 = arith.constant 0 : index
    %get3A_34 = vector.load %arg1[%get3A_31, %get3A_32, %get3A_33] : memref<13x512x128xf32, #tpu.memory_space<vmem>>, vector<1x512x128xf32>
    %get3A_35 = vector.shape_cast %get3A_34 : vector<1x512x128xf32> to vector<512x128xf32>
    %convert_element_type3A_36 = arith.truncf %get3A_35 : vector<512x128xf32> to vector<512x128xbf16>
    %get3A_37 = arith.constant 4 : index
    %get3A_38 = arith.constant 0 : index
    %get3A_39 = arith.constant 0 : index
    %get3A_40 = vector.load %arg1[%get3A_37, %get3A_38, %get3A_39] : memref<13x512x128xf32, #tpu.memory_space<vmem>>, vector<1x512x128xf32>
    %get3A_41 = vector.shape_cast %get3A_40 : vector<1x512x128xf32> to vector<512x128xf32>
    %convert_element_type3A_42 = arith.truncf %get3A_41 : vector<512x128xf32> to vector<512x128xbf16>
    %get3A_43 = arith.constant 5 : index
    %get3A_44 = arith.constant 0 : index
    %get3A_45 = arith.constant 0 : index
    %get3A_46 = vector.load %arg1[%get3A_43, %get3A_44, %get3A_45] : memref<13x512x128xf32, #tpu.memory_space<vmem>>, vector<1x512x128xf32>
    %get3A_47 = vector.shape_cast %get3A_46 : vector<1x512x128xf32> to vector<512x128xf32>
    %convert_element_type3A_48 = arith.truncf %get3A_47 : vector<512x128xf32> to vector<512x128xbf16>
    %get3A_49 = arith.constant 6 : index
    %get3A_50 = arith.constant 0 : index
    %get3A_51 = arith.constant 0 : index
    %get3A_52 = vector.load %arg1[%get3A_49, %get3A_50, %get3A_51] : memref<13x512x128xf32, #tpu.memory_space<vmem>>, vector<1x512x128xf32>
    %get3A_53 = vector.shape_cast %get3A_52 : vector<1x512x128xf32> to vector<512x128xf32>
    %convert_element_type3A_54 = arith.truncf %get3A_53 : vector<512x128xf32> to vector<512x128xbf16>
    %get3A_55 = arith.constant 7 : index
    %get3A_56 = arith.constant 0 : index
    %get3A_57 = arith.constant 0 : index
    %get3A_58 = vector.load %arg1[%get3A_55, %get3A_56, %get3A_57] : memref<13x512x128xf32, #tpu.memory_space<vmem>>, vector<1x512x128xf32>
    %get3A_59 = vector.shape_cast %get3A_58 : vector<1x512x128xf32> to vector<512x128xf32>
    %convert_element_type3A_60 = arith.truncf %get3A_59 : vector<512x128xf32> to vector<512x128xbf16>
    %get3A_61 = arith.constant 8 : index
    %get3A_62 = arith.constant 0 : index
    %get3A_63 = arith.constant 0 : index
    %get3A_64 = vector.load %arg1[%get3A_61, %get3A_62, %get3A_63] : memref<13x512x128xf32, #tpu.memory_space<vmem>>, vector<1x512x128xf32>
    %get3A_65 = vector.shape_cast %get3A_64 : vector<1x512x128xf32> to vector<512x128xf32>
    %convert_element_type3A_66 = arith.truncf %get3A_65 : vector<512x128xf32> to vector<512x128xbf16>
    %get3A_67 = arith.constant 9 : index
    %get3A_68 = arith.constant 0 : index
    %get3A_69 = arith.constant 0 : index
    %get3A_70 = vector.load %arg1[%get3A_67, %get3A_68, %get3A_69] : memref<13x512x128xf32, #tpu.memory_space<vmem>>, vector<1x512x128xf32>
    %get3A_71 = vector.shape_cast %get3A_70 : vector<1x512x128xf32> to vector<512x128xf32>
    %convert_element_type3A_72 = arith.truncf %get3A_71 : vector<512x128xf32> to vector<512x128xbf16>
    %get3A_73 = arith.constant 10 : index
    %get3A_74 = arith.constant 0 : index
    %get3A_75 = arith.constant 0 : index
    %get3A_76 = vector.load %arg1[%get3A_73, %get3A_74, %get3A_75] : memref<13x512x128xf32, #tpu.memory_space<vmem>>, vector<1x512x128xf32>
    %get3A_77 = vector.shape_cast %get3A_76 : vector<1x512x128xf32> to vector<512x128xf32>
    %convert_element_type3A_78 = arith.truncf %get3A_77 : vector<512x128xf32> to vector<512x128xbf16>
    %get3A_79 = arith.constant 11 : index
    %get3A_80 = arith.constant 0 : index
    %get3A_81 = arith.constant 0 : index
    %get3A_82 = vector.load %arg1[%get3A_79, %get3A_80, %get3A_81] : memref<13x512x128xf32, #tpu.memory_space<vmem>>, vector<1x512x128xf32>
    %get3A_83 = vector.shape_cast %get3A_82 : vector<1x512x128xf32> to vector<512x128xf32>
    %convert_element_type3A_84 = arith.truncf %get3A_83 : vector<512x128xf32> to vector<512x128xbf16>
    %get3A_85 = arith.constant 12 : index
    %get3A_86 = arith.constant 0 : index
    %get3A_87 = arith.constant 0 : index
    %get3A_88 = vector.load %arg1[%get3A_85, %get3A_86, %get3A_87] : memref<13x512x128xf32, #tpu.memory_space<vmem>>, vector<1x512x128xf32>
    %get3A_89 = vector.shape_cast %get3A_88 : vector<1x512x128xf32> to vector<512x128xf32>
    %convert_element_type3A_90 = arith.truncf %get3A_89 : vector<512x128xf32> to vector<512x128xbf16>
    %concatenate3A = tpu.concatenate %convert_element_type3A, %convert_element_type3A_24, %convert_element_type3A_30, %convert_element_type3A_36, %convert_element_type3A_42, %convert_element_type3A_48, %convert_element_type3A_54, %convert_element_type3A_60, %convert_element_type3A_66, %convert_element_type3A_72, %convert_element_type3A_78, %convert_element_type3A_84, %convert_element_type3A_90 in 1 : vector<512x128xbf16>, vector<512x128xbf16>, vector<512x128xbf16>, vector<512x128xbf16>, vector<512x128xbf16>, vector<512x128xbf16>, vector<512x128xbf16>, vector<512x128xbf16>, vector<512x128xbf16>, vector<512x128xbf16>, vector<512x128xbf16>, vector<512x128xbf16>, vector<512x128xbf16> -> vector<512x1664xbf16>
    %get3A_91 = arith.constant 0 : index
    %get3A_92 = arith.constant 0 : index
    %get3A_93 = vector.load %arg5[%get3A_91, %get3A_92] : memref<1664x1024xbf16, #tpu.memory_space<vmem>>, vector<1664x1024xbf16>
    %dot_general3A_94 = arith.constant dense<0.000000e+00> : vector<512x1024xf32>
    %dot_general3A_95 = tpu.matmul %concatenate3A, %get3A_93, %dot_general3A_94 {dimension_numbers = #tpu.dot_dimension_numbers<[1], [0], [0], [1], [0, 0, 1, 1], [], []>, transpose_lhs_hint = false} : vector<512x1664xbf16>, vector<1664x1024xbf16>, vector<512x1024xf32> -> vector<512x1024xf32>
    %add3A = arith.addf %dot_general3A_13, %dot_general3A_95 : vector<512x1024xf32>
    %get3A_96 = arith.constant 0 : index
    %get3A_97 = arith.constant 0 : index
    %get3A_98 = vector.load %arg7[%get3A_96, %get3A_97] : memref<1x1024xf32, #tpu.memory_space<vmem>>, vector<1x1024xf32>
    %add3A_99 = vector.broadcast %get3A_98 : vector<1x1024xf32> to vector<512x1024xf32>
    %add3A_100 = arith.addf %add3A, %add3A_99 : vector<512x1024xf32>
    %max3A = arith.constant 0.000000e+00 : f32
    %max3A_101 = vector.broadcast %max3A : f32 to vector<512x1024xf32>
    %max3A_102 = arith.maximumf %add3A_100, %max3A_101 : vector<512x1024xf32>
    %get3A_103 = arith.constant 0 : index
    %get3A_104 = arith.constant 0 : index
    %get3A_105 = vector.load %arg8[%get3A_103, %get3A_104] : memref<1x1024xf32, #tpu.memory_space<vmem>>, vector<1x1024xf32>
    %mul3A = vector.broadcast %get3A_105 : vector<1x1024xf32> to vector<512x1024xf32>
    %mul3A_106 = arith.mulf %max3A_102, %mul3A : vector<512x1024xf32>
    %reduce_sum3A = arith.constant dense<0.000000e+00> : vector<512xf32>
    %reduce_sum3A_107 = vector.multi_reduction <add>, %mul3A_106, %reduce_sum3A [1] : vector<512x1024xf32> to vector<512xf32>
    %broadcast_in_dim3A = vector.shape_cast %reduce_sum3A_107 : vector<512xf32> to vector<512x1xf32>
    %get3A_108 = arith.constant 0 : index
    %get3A_109 = arith.constant 0 : index
    %get3A_110 = vector.load %arg9[%get3A_108, %get3A_109] : memref<1x1xf32, #tpu.memory_space<vmem>>, vector<1x1xf32>
    %add3A_111 = vector.broadcast %get3A_110 : vector<1x1xf32> to vector<512x1xf32>
    %add3A_112 = arith.addf %broadcast_in_dim3A, %add3A_111 : vector<512x1xf32>
    %swap3A = arith.constant 0 : index
    %swap3A_113 = arith.constant 0 : index
    %swap3A_114 = vector.load %arg10[%swap3A, %swap3A_113] : memref<512x1xf32, #tpu.memory_space<vmem>>, vector<512x1xf32>
    tpu.vector_store %arg10[%swap3A, %swap3A_113], %add3A_112 {strides = array<i32>} : memref<512x1xf32, #tpu.memory_space<vmem>>, vector<512x1xf32>,
    return
  }
  func.func @transform_0(%arg0: i32) -> (i32, i32, i32) {
    %c0_i32 = arith.constant 0 : i32
    %c0_i32_0 = arith.constant 0 : i32
    %c0_i32_1 = arith.constant 0 : i32
    return %c0_i32, %arg0, %c0_i32_0 : i32, i32, i32
  }
  func.func @transform_1(%arg0: i32) -> (i32, i32) {
    %c0_i32 = arith.constant 0 : i32
    %c0_i32_0 = arith.constant 0 : i32
    return %arg0, %c0_i32 : i32, i32
  }
  func.func @transform_2(%arg0: i32) -> (i32, i32) {
    %c0_i32 = arith.constant 0 : i32
    %c0_i32_0 = arith.constant 0 : i32
    %c0_i32_1 = arith.constant 0 : i32
    return %c0_i32, %c0_i32_0 : i32, i32
  }
  func.func @transform_3(%arg0: i32) -> (i32, i32) {
    %c0_i32 = arith.constant 0 : i32
    %c0_i32_0 = arith.constant 0 : i32
    %c0_i32_1 = arith.constant 0 : i32
    return %c0_i32, %c0_i32_0 : i32, i32
  }
  func.func @transform_4(%arg0: i32) -> (i32, i32) {
    %c0_i32 = arith.constant 0 : i32
    %c0_i32_0 = arith.constant 0 : i32
    %c0_i32_1 = arith.constant 0 : i32
    return %c0_i32, %c0_i32_0 : i32, i32
  }
  func.func @transform_5(%arg0: i32) -> (i32, i32) {
    %c0_i32 = arith.constant 0 : i32
    %c0_i32_0 = arith.constant 0 : i32
    %c0_i32_1 = arith.constant 0 : i32
    return %c0_i32, %c0_i32_0 : i32, i32
  }
  func.func @transform_6(%arg0: i32) -> (i32, i32) {
    %c0_i32 = arith.constant 0 : i32
    %c0_i32_0 = arith.constant 0 : i32
    %c0_i32_1 = arith.constant 0 : i32
    return %c0_i32, %c0_i32_0 : i32, i32
  }
  func.func @transform_7(%arg0: i32) -> (i32, i32) {
    %c0_i32 = arith.constant 0 : i32
    %c0_i32_0 = arith.constant 0 : i32
    %c0_i32_1 = arith.constant 0 : i32
    return %c0_i32, %c0_i32_0 : i32, i32
  }
  func.func @transform_8(%arg0: i32) -> (i32, i32) {
    %c0_i32 = arith.constant 0 : i32
    %c0_i32_0 = arith.constant 0 : i32
    %c0_i32_1 = arith.constant 0 : i32
    return %c0_i32, %c0_i32_0 : i32, i32
  }
  func.func @transform_9(%arg0: i32) -> (i32, i32) {
    %c0_i32 = arith.constant 0 : i32
    %c0_i32_0 = arith.constant 0 : i32
    return %arg0, %c0_i32 : i32, i32
  }
}

</mosaic_0001>

<sc_bundles>
// kernel: kernel.10.cloned.1.call-start
scs
__scs_entry_jumppad:
0x0: {  	(pc) =	sbr.rel $0x88, $3  }
0x1: {  	(tag) =	ssettag $0x0;
	lr =	simm.s32 $0x1  }
0x2: {  	[smem:$0x3F98] =	sst lr;
	_ =	strace $0xD0000000  }
0x3: {  	_ = 	snop  }
0x4: {  	_ = 	snop  }
0x5: {  	_ = 	snop  }
0x6: {  	_ = 	snop  }
0x7: {  	_ = 	snop  }
__scs_overlays_trampoline_lowered:
0x8: {  	[smem:$0x3FA7] =	sst s0  }
0x9: {  	[smem:$0x3FA8] =	sst s1  }
0xa: {  	[smem:$0x3FA9] =	sst s2  }
0xb: {  	[smem:$0x3FAA] =	sst s3  }
0xc: {  	[smem:$0x3FAB] =	sst s4  }
0xd: {  	[smem:$0x3FAC] =	sst s5  }
0xe: {  	[smem:$0x3FAD] =	sst s6  }
0xf: {  	[smem:$0x3FAE] =	sst s7  }
0x10: {  	[smem:$0x3FAF] =	sst s8  }
0x11: {  	[smem:$0x3FB0] =	sst s9;
	s0 =	simm.s32 @!p0 $0x0  }
0x12: {  	s1 =	sld [smem:$0x3F96];
	s0 =	simm.s32 @p0 $0x1  }
0x13: {  	[smem:$0x3FB1] =	sst s0;
	s0 =	simm.s32 @!p1 $0x0  }
0x14: {  	s2 =	sld [smem:$0x3F95];
	s0 =	simm.s32 @p1 $0x1  }
0x15: {  	[smem:$0x3FB2] =	sst s0;
	s0 =	simm.s32 @!p2 $0x0  }
0x16: {  	s3 =	sld [smem:$0x3FDB];
	s0 =	simm.s32 @p2 $0x1  }
0x17: {  	s4 =	simm.s32 $0x1BF5;
	[smem:$0x3FB4] =	sst s0  }
0x18: {  	s0 =	sld [smem:$0x3F97];
	_ =	swait.ge [sflag:s4], $0x0  }
0x19: {  	s7 =	sld [smem:$0x3F98]  }
0x1a: {  	s8 =	sadd.s32 $0xFFFFE003, lr  }
0x1b: {  	s9 =	sadd.s32 $0xFFFFFEF7, lr;
	s5 =	simm.s32 $0xFFFFFFFF;
	p2 =	slt.u32 s8, $0xFFFFF086  }
0x1c: {  	p1 =	slt.u32 s9, $0xF7A;
	s5 =	simm.s32 @!p2 $0x0  }
0x1d: {  	s5 =	simm.s32 @p1 $0x1;
	p0 =	seq.s32 s7, s2  }
0x1e: {  	s7 =	smul.u32 @!p0 $0xF7A, s2;
	p2 =	seq.s32 @!p0 s5, $0x0  }
0x1f: {  	s9 =	smul.u32 $0xF7A, s1;
	s8 =	simm.s32 @!p0 $0x1BF5;
	p2 =	por !p2, p0  }
0x20: {  	[sflag:s8] =	ssyncset.s32 @!p0 $0xFFFFF086;
	s6 =	sadd.s32 @!p0 s3, s7;
	s7 =	simm.s32 @!p0 $0x108  }
0x21: {  	s3 =	sadd.s32 s3, s9;
	s6 =	sadd.s32 @!p0 $0x88, s6;
	s7 =	simm.s32 @p2 $0x1082  }
0x22: {  	[simem:s7], [sflag:s8] =	dma.local @!p0 [hbm:s6], $0xF7A  }
0x23: {  	s9 =	sor.u32 $0xD0000000, s2;
	s6 =	simm.s32 $0x108;
	_ =	swait.ge @!p0 [sflag:s8], $0x0  }
0x24: {  	s3 =	sadd.s32 $0x88, s3;
	s6 =	simm.s32 @!p1 $0x1082;
	[sflag:s4] =	ssyncset.s32 $0xFFFFF086  }
0x25: {  	[simem:s6], [sflag:s4] =	dma.local [hbm:s3], $0xF7A  }
0x26: {  	[smem:$0x3F98] =	sst s1;
	(tag) =	ssettag s2;
	_ =	strace s9  }
0x27: {  	s1 =	sld [smem:$0x3FA8]  }
0x28: {  	s2 =	sld [smem:$0x3FA9]  }
0x29: {  	s4 =	sld [smem:$0x3FAB]  }
0x2a: {  	p0 =	seq.s32 s5, $0x0;
	s5 =	sld [smem:$0x3FAC]  }
0x2b: {  	s6 =	sld [smem:$0x3FAD]  }
0x2c: {  	s7 =	sld [smem:$0x3FAE]  }
0x2d: {  	s3 =	simm.s32 $0x108;
	s8 =	sld [smem:$0x3FAF]  }
0x2e: {  	s3 =	simm.s32 @!p0 $0x1082;
	s9 =	sld [smem:$0x3FB0]  }
0x2f: {  	lr =	sadd.s32 s0, s3;
	s0 =	sld [smem:$0x3FA7]  }
0x30: {  	s3 =	sld [smem:$0x3FAA]  }
0x31: {  	[smem:$0x3FB3] =	sst s10  }
0x32: {  	s10 =	sld [smem:$0x3FB1];
	_ =	sdelay $0x3  }
0x33: {  	p0 =	seq.s32 s10, $0x1;
	s10 =	sld [smem:$0x3FB3];
	_ =	sdelay $0x3  }
0x34: {  	[smem:$0x3FB3] =	sst s10  }
0x35: {  	s10 =	sld [smem:$0x3FB2];
	_ =	sdelay $0x3  }
0x36: {  	p1 =	seq.s32 s10, $0x1;
	s10 =	sld [smem:$0x3FB3];
	_ =	sdelay $0x3  }
0x37: {  	[smem:$0x3FB3] =	sst s10  }
0x38: {  	s10 =	sld [smem:$0x3FB4]  }
0x39: {  	_ = 	snop;
	(pc) =	sbr.ind lr, $3  }
0x3a: {  	_ = 	snop  }
0x3b: {  	_ = 	snop  }
0x3c: {  	p2 =	seq.s32 s10, $0x1;
	s10 =	sld [smem:$0x3FB3]  }
0x3d: {  	_ =	shalt  }
0x3e: {  	_ =	shalt  }
0x3f: {  	_ =	shalt  }
0x40: {  	_ =	shalt  }
0x41: {  	_ =	shalt  }
0x42: {  	_ =	shalt  }
0x43: {  	_ =	shalt  }
0x44: {  	_ =	shalt  }
0x45: {  	_ =	shalt  }
0x46: {  	_ =	shalt  }
0x47: {  	_ =	shalt  }
0x48: {  	_ =	shalt  }
0x49: {  	_ =	shalt  }
0x4a: {  	_ =	shalt  }
0x4b: {  	_ =	shalt  }
0x4c: {  	_ =	shalt  }
0x4d: {  	_ =	shalt  }
0x4e: {  	_ =	shalt  }
0x4f: {  	_ =	shalt  }
0x50: {  	_ =	shalt  }
0x51: {  	_ =	shalt  }
0x52: {  	_ =	shalt  }
0x53: {  	_ =	shalt  }
0x54: {  	_ =	shalt  }
0x55: {  	_ =	shalt  }
0x56: {  	_ =	shalt  }
0x57: {  	_ =	shalt  }
0x58: {  	_ =	shalt  }
0x59: {  	_ =	shalt  }
0x5a: {  	_ =	shalt  }
0x5b: {  	_ =	shalt  }
0x5c: {  	_ =	shalt  }
0x5d: {  	_ =	shalt  }
0x5e: {  	_ =	shalt  }
0x5f: {  	_ =	shalt  }
0x60: {  	_ =	shalt  }
0x61: {  	_ =	shalt  }
0x62: {  	_ =	shalt  }
0x63: {  	_ =	shalt  }
0x64: {  	_ =	shalt  }
0x65: {  	_ =	shalt  }
0x66: {  	_ =	shalt  }
0x67: {  	_ =	shalt  }
0x68: {  	_ =	shalt  }
0x69: {  	_ =	shalt  }
0x6a: {  	_ =	shalt  }
0x6b: {  	_ =	shalt  }
0x6c: {  	_ =	shalt  }
0x6d: {  	_ =	shalt  }
0x6e: {  	_ =	shalt  }
0x6f: {  	_ =	shalt  }
0x70: {  	_ =	shalt  }
0x71: {  	_ =	shalt  }
0x72: {  	_ =	shalt  }
0x73: {  	_ =	shalt  }
0x74: {  	_ =	shalt  }
0x75: {  	_ =	shalt  }
0x76: {  	_ =	shalt  }
0x77: {  	_ =	shalt  }
0x78: {  	_ =	shalt  }
0x79: {  	_ =	shalt  }
0x7a: {  	_ =	shalt  }
0x7b: {  	_ =	shalt  }
0x7c: {  	_ =	shalt  }
0x7d: {  	_ =	shalt  }
0x7e: {  	_ =	shalt  }
0x7f: {  	_ =	shalt  }
0x80: {  	_ =	shalt  }
0x81: {  	_ =	shalt  }
0x82: {  	_ =	shalt  }
0x83: {  	_ =	shalt  }
0x84: {  	_ =	shalt  }
0x85: {  	_ =	shalt  }
0x86: {  	_ =	shalt  }
0x87: {  	_ =	shalt  }
.Lfunc_end0:
.L_simem_size_0:
called_computation_lowered:
.L_overlay_start_0:
0x88: {  	s2 =	sld [smem:$0x3FD9]  }
0x89: {  	s3 =	sld [smem:$0x3FFE];
	_ =	sdelay $0x1  }
0x8a: {  	s1 =	srdreg.scid  }
0x8b: {  	s0 =	sand.u32 $0x1, s1  }
0x8c: {  	s17 =	sshll.u32 s0, $0xA;
	s2 =	sadd.s32 s3, s2  }
0x8d: {  	s2 =	sadd.s32 s2, s17  }
0x8e: {  	[smem:$0x3FBF] =	sst s2  }
0x8f: {  	_ = 	snop  }
0x90: {  	(tm) =	ssettm $0x1  }
0x91: {  	s18 =	sld [smem:$0x3FFB];
	_ =	sdelay $0x3  }
0x92: {  	_ =	strace s18  }
0x93: {  	s2 =	sld [smem:$0x3FFC];
	_ =	sdelay $0x3  }
0x94: {  	_ =	strace s2  }
0x95: {  	s2 =	sld [smem:$0x3FFD];
	_ =	sdelay $0x3  }
0x96: {  	_ =	strace s2  }
0x97: {  	_ =	strace $0x8FFFFFFF  }
0x98: {  	s19 =	sld [smem:$0x3FDB];
	_ =	sdelay $0x1  }
0x99: {  	s20 =	simm.s32 $_scs_section_size  }
0x9a: {  	s4 =	simm.s32 $_size__tile_overlayer_lowered;
	s5 =	simm.s32 $_tile_overlayer_lowered  }
0x9b: {  	s6 =	simm.s32 $0x1BFF;
	s21 =	sshll.u32 s5, $0x1;
	s3 =	sadd.s32 s20, s19  }
0x9c: {  	s22 =	simm.s32 $0x0;
	s4 =	sshll.u32 s4, $0x1;
	s5 =	sadd.s32 s21, s3  }
0x9d: {  	[timem:s22], [sflag:s6] =	dma.local [hbm:s5], s4  }
0x9e: {  	_ =	swait.ge [sflag:s6], s4  }
0x9f: {  	s4 =	ssub.s32 $0x0, s4;
	[sflag:s6] =	ssyncset.done $0x0  }
0xa0: {  	[sflag:s6] =	ssyncadd.s32 s4;
	_ =	sdelay $0x1  }
0xa1: {  	s23 =	simm.s32 $0x1B8B  }
0xa2: {  	_ =	swait.ge [sflag:s23], $0x1  }
0xa3: {  	[sflag:s23] =	ssyncset.done $0x0  }
0xa4: {  	[sflag:s23] =	ssyncadd.s32 $0xFFFFFFFF  }
0xa5: {  	s4 =	sld [smem:$0x0]  }
0xa6: {  	s5 =	sand.u32 $0xFFFFFFFE, s1  }
0xa7: {  	p0 =	sne.s32 s1, s5  }
0xa8: {  	s5 =	sshll.u32 @p0 s5, $0xE  }
0xa9: {  	s5 =	sadd.s32 @p0 $0x11B8D, s5;
	s6 =	sshll.u32 @p0 s4, $0x11  }
0xaa: {  	s5 =	sor.u32 @p0 s6, s5  }
0xab: {  	[sflag:s5] =	ssyncadd.remote.s32 @p0 $0x1;
	_ =	sdelay $0x1  }
0xac: {  	s5 =	simm.s32 @p0 $0x1B8D  }
0xad: {  	_ =	swait.eq @p0 [sflag:s5], $0x1  }
0xae: {  	[sflag:s5] =	ssyncadd.s32 @p0 $0xFFFFFFFF  }
0xaf: {  	s6 =	sshll.u32 @!p0 s1, $0xE  }
0xb0: {  	s6 =	sor.u32 @!p0 $0x4000, s6;
	s5 =	simm.s32 @!p0 $0x1B8D  }
0xb1: {  	s4 =	sshll.u32 @!p0 s4, $0x11;
	s6 =	sadd.s32 @!p0 $0x11B8D, s6;
	_ =	swait.eq @!p0 [sflag:s5], $0x1  }
0xb2: {  	s4 =	sor.u32 @!p0 s4, s6;
	[sflag:s5] =	ssyncadd.s32 @!p0 $0xFFFFFFFF  }
0xb3: {  	s25 =	simm.s32 $0x1B8E;
	s24 =	sld [smem:$0x3FFE];
	[sflag:s4] =	ssyncadd.remote.s32 @!p0 $0x1  }
0xb4: {  	s26 =	simm.s32 $execute0_lowered;
	[smem:$0x3FD2] =	sst s25  }
0xb5: {  	s5 =	sshll.u32 s26, $0x1;
	_ =	strace $0x8000004F;
	[dreg:$0x1] =	wrdreg $0xFFFFFFFF  }
0xb6: {  	s28 =	simm.s32 $_size_execute0_lowered;
	s3 =	sadd.s32 s3, s5;
	[dreg:$0x0] =	wrdreg $0x0  }
0xb7: {  	s5 =	sshll.u32 s28, $0x1;
	[dreg:$0x2] =	wrdreg s3  }
0xb8: {  	[dreg:$0x3] =	wrdreg s5  }
0xb9: {  	[dreg:$0x4] =	wrdreg $0xC0  }
0xba: {  	_ =	task [dreg:s22], $0x5FFFF  }
0xbb: {  	[dreg:$0x1] =	wrdreg $0xFFFFFFFF  }
0xbc: {  	[dreg:$0x0] =	wrdreg $0x60  }
0xbd: {  	[dreg:$0x2] =	wrdreg s24  }
0xbe: {  	[dreg:$0x3] =	wrdreg $0x9  }
0xbf: {  	_ =	task.clear_ibuf [dreg:s22], $0x4FFFF;
	_ =	strace $0x9000004F  }
0xc0: {  	s29 =	simm.s32 $0x9;
	_ =	strace $0x80000051  }
0xc1: {  	_ =	swait.ge [sflag:s29], $0x1  }
0xc2: {  	[sflag:s29] =	ssyncadd.s32 $0xFFFFFFFF  }
0xc3: {  	_ =	strace $0x90000051  }
0xc4: {  	_ =	sfence  }
0xc5: {  	s30 =	sld [smem:$0x0];
	_ =	sdelay $0x2  }
0xc6: {  	s31 =	sshll.u32 s1, $0xD;
	s1 =	sshrl.u32 s1, $0x2  }
0xc7: {  	s4 =	sand.u32 $0x4000, s31;
	s1 =	sadd.s32 s1, s30  }
0xc8: {  	s0 =	sor.u32 s4, s0;
	s1 =	sshll.u32 s1, $0x11  }
0xc9: {  	s0 =	sor.u32 s1, s0  }
0xca: {  	s0 =	sadd.s32 $0x8F2B, s0  }
0xcb: {  	[sflag:s0] =	ssyncadd.remote.s32 $0x1  }
0xcc: {  	_ =	sfence.sel $0xFFFF  }
0xcd: {  	[dreg:$0x0] =	wrdreg $0xFFFFFFFF;
	(pc) =	sbr.abs _section_cstart, $3  }
0xce: {  	[dreg:$0x1] =	wrdreg $0xFFFFFFFF  }
0xcf: {  	_ =	task.clear_ibuf [dreg:s22], $0x2FFFF;
	_ =	strace $0x9FFFFFFF  }
0xd0: {  	(tm) =	ssettm $0x7FFFFFFF  }
0xd1: {  	_ =	shalt  }
tec
execute0_lowered:
.L_overlay_start_1:
0x0: {  	(tag) =	ssettag $0x1  }
0x1: {  	s1 =	srdreg.scid  }
0x2: {  	s0 =	stileid.u32;
	s5 =	rddreg [dreg:$0x0];
	s2 =	simm.s32 $0x0  }
0x3: {  	s11 =	simm.s32 $0xD00;
	s12 =	simm.s32 $0x2D00;
	s13 =	simm.s32 $0x1  }
0x4: {  	s14 =	simm.s32 $0x100;
	s15 =	simm.s32 $0x4D00;
	s16 =	simm.s32 $0x180  }
0x5: {  	s17 =	simm.s32 $0x6D00;
	s18 =	simm.s32 $0x2;
	s4 =	sand.u32 $0x1, s1  }
0x6: {  	s28 =	sshll.u32 s0, $0x1;
	s1 =	rddreg [dreg:$0x1];
	s8 =	smul.u32 $0x68000, s0  }
0x7: {  	s3 =	sor.u32 s4, s28;
	s9 =	ssub.s32 $0x2, s4;
	s4 =	smul.u32 $0x34000, s4  }
0x8: {  	s19 =	simm.s32 $0x0;
	[smem:$0x7FF] =	sst s2;
	s6 =	smul.u32 $0x1A0, s3  }
0x9: {  	s10 =	sadd.s32 $0x2B3200, s5;
	s7 =	smul.u32 $0x34000, s3;
	s29 =	sshrl.u32 s9, $0x1  }
0xa: {  	_ =	strace $0x80000050;
	s3 =	sadd.s32 $0x6800, s5;
	s9 =	ssub.s32 s9, s29  }
0xb: {  	s31 =	sadd.s32 s4, s8;
	s6 =	sadd.s32 s6, s5;
	s30 =	sshrl.u32 s7, $0x3  }
0xc: {  	s8 =	sadd.s32 $0x4000, s31;
	s4 =	sadd.s32 $0x2AFE00, s6;
	s5 =	sadd.s32 s10, s30  }
0xd: {  	s6 =	smax.u32 s9, $0x1;
	s8 =	sshrl.u32 s8, $0x3;
	s9 =	simm.s32 $0x3  }
0xe: {  	s7 =	sadd.s32 $0x400, s5;
	s8 =	sadd.s32 s8, s10;
	s10 =	simm.s32 $0x80  }
.LBB2_1:
0xf: {  	[tilespmem:s2], [sflag:$0x3] =	stream.linear.gather [hbm4b:s4+s2], $0xD00, $0x38;
	[tilespmem:$0x8D00] =	vst v63  }
0x10: {  	_ =	swait.ge [sflag:s9], $0xD00  }
0x11: {  	[sflag:s9] =	ssyncset.done $0x0  }
0x12: {  	[sflag:s9] =	ssyncadd.s32 $0xFFFFF300  }
0x13: {  	[tilespmem:s11], [sflag:$0x1] =	stream.indirect.gather [hbm4b:s3+s10], $0x40, s2, s10, $0xb8;
	[tilespmem:$0x8D00] =	vst v63  }
0x14: {  	_ = 	snop  }
0x15: {  	[tilespmem:s12], [sflag:$0x1] =	stream.indirect.gather [hbm4b:s3+s10], $0x40, s10, s10, $0xb8;
	[tilespmem:$0x8D00] =	vst v63  }
0x16: {  	_ =	swait.ge [sflag:s13], $0x2000  }
0x17: {  	[sflag:s13] =	ssyncset.done $0x0  }
0x18: {  	[sflag:s13] =	ssyncadd.s32 $0xFFFFE000  }
0x19: {  	[hbm4b:s5+s2] =	stream.linear.scatter [tilespmem:s11], [sflag:$0x2], $0x2000, $0x38;
	[tilespmem:$0x8D00] =	vst v63  }
0x1a: {  	_ = 	snop  }
0x1b: {  	[tilespmem:s15], [sflag:$0x1] =	stream.indirect.gather [hbm4b:s3+s10], $0x40, s14, s10, $0xb8;
	[tilespmem:$0x8D00] =	vst v63  }
0x1c: {  	_ =	swait.ge [sflag:s13], $0x2000  }
0x1d: {  	[sflag:s13] =	ssyncset.done $0x0  }
0x1e: {  	[sflag:s13] =	ssyncadd.s32 $0xFFFFE000  }
0x1f: {  	[hbm4b:s7+s2] =	stream.linear.scatter [tilespmem:s12], [sflag:$0x2], $0x2000, $0x38;
	[tilespmem:$0x8D00] =	vst v63  }
0x20: {  	s23 =	simm.s32 $0x20000;
	s21 =	simm.s32 $0x10000;
	s20 =	simm.s32 $0x200  }
0x21: {  	[tilespmem:s17], [sflag:$0x1] =	stream.indirect.gather [hbm4b:s3+s10], $0x40, s16, s10, $0xb8;
	[tilespmem:$0x8D00] =	vst v63  }
0x22: {  	p0 =	por $0x0, $0x0;
	s22 =	sand.u32 $0x18000, s21;
	_ =	swait.ge [sflag:s13], $0x2000  }
0x23: {  	s21 =	simm.s32 $0x3;
	s24 =	sshrl.u32 s22, $0x2;
	[sflag:s13] =	ssyncset.done $0x0  }
0x24: {  	s26 =	simm.s32 @!p0 $0x80;
	s24 =	sor.u32 $0xD00, s24;
	[sflag:s13] =	ssyncadd.s32 $0xFFFFE000  }
0x25: {  	[hbm4b:s8+s2] =	stream.linear.scatter [tilespmem:s24], [sflag:$0x2], $0x2000, $0x38;
	[tilespmem:$0x8D00] =	vst v63  }
0x26: {  	s22 =	simm.s32 $0x280;
	s24 =	sand.u32 @!p0 $0x18000, s23;
	_ =	swait.ge [sflag:s18], $0x2000  }
0x27: {  	s23 =	simm.s32 $0x28000;
	s25 =	sshrl.u32 @!p0 s24, $0x2;
	[sflag:s18] =	ssyncset.done $0x0  }
0x28: {  	s24 =	sadd.s32 $0x400, s8;
	s25 =	sor.u32 @!p0 $0xD00, s25;
	[sflag:s18] =	ssyncadd.s32 $0xFFFFE000  }
.LBB2_2:
0x29: {  	[tilespmem:s25], [sflag:$0x1] =	stream.indirect.gather @!p0 [hbm4b:s3+s26], $0x40, s20, s26, $0xb8;
	[tilespmem:$0x8D00] =	vst v63  }
0x2a: {  	s25 =	smov.u32 s21;
	s20 =	smov.u32 s22  }
0x2b: {  	s26 =	sadd.s32 $0xFFFF0000, s23;
	s21 =	sadd.s32 $0x1, s21;
	_ =	swait.ge [sflag:s13], $0x2000  }
0x2c: {  	s26 =	sand.u32 $0x18000, s26;
	p1 =	sne.s32 s21, $0x1A;
	[sflag:s13] =	ssyncset.done $0x0  }
0x2d: {  	s22 =	sadd.s32 $0x80, s22;
	s26 =	sshrl.u32 s26, $0x2;
	[sflag:s13] =	ssyncadd.s32 $0xFFFFE000  }
.Ltmp0:
0x2e: {  	p0 =	sgt.u32 s25, $0x17;
	s26 =	sor.u32 $0xD00, s26;
	(pc) =	sbr.rel @p1 .LBB2_2-.Ltmp0, $4  }
0x2f: {  	[hbm4b:s24+s2] =	stream.linear.scatter [tilespmem:s26], [sflag:$0x2], $0x2000, $0x38;
	[tilespmem:$0x8D00] =	vst v63  }
0x30: {  	s25 =	sand.u32 @!p0 $0x18000, s23;
	s23 =	sadd.s32 $0x8000, s23;
	_ =	swait.ge [sflag:s18], $0x2000  }
0x31: {  	s25 =	sshrl.u32 @!p0 s25, $0x2;
	s24 =	sadd.s32 $0x400, s24;
	[sflag:s18] =	ssyncset.done $0x0  }
0x32: {  	s25 =	sor.u32 @!p0 $0xD00, s25;
	s26 =	simm.s32 @!p0 $0x80;
	[sflag:s18] =	ssyncadd.s32 $0xFFFFE000  }
0x33: {  	[tilespmem:s25], [sflag:$0x1] =	stream.indirect.gather @!p0 [hbm4b:s3+s26], $0x40, s20, s26, $0xb8;
	[tilespmem:$0x8D00] =	vst v63  }
0x34: {  	s19 =	sadd.s32 $0x1, s19  }
0x35: {  	_ =	swait.ge [sflag:s18], $0x2000;
	p0 =	sne.s32 s19, s6  }
.Ltmp1:
0x36: {  	[sflag:s18] =	ssyncset.done $0x0;
	(pc) =	sbr.rel @p0 .LBB2_1-.Ltmp1, $4  }
0x37: {  	[sflag:s18] =	ssyncadd.s32 $0xFFFFE000  }
0x38: {  	_ =	swait.ge [sflag:s18], $0x2000  }
0x39: {  	[sflag:s18] =	ssyncset.done $0x0  }
0x3a: {  	[sflag:s18] =	ssyncadd.s32 $0xFFFFE000  }
0x3b: {  	_ =	sfence.sel $0x180000  }
0x3c: {  	[bflag:$0x0] =	sbarrier.arrive $0xFFFF  }
0x3d: {  	p0 =	sne.s32 s0, $0x0;
	_ =	strace $0x90000050  }
0x3e: {  	s0 =	sadd.s32 @!p0 $0x100000, s1;
	[bflag:$0x2] =	sbarrier.arrive $0xFFFF  }
0x3f: {  	[sflag:s0] =	ssyncadd.tile.s32 @!p0 $0x1;
	_ =	shalt  }
.Lfunc_end2:
_tile_overlayer_lowered:
.L_overlay_start_2:
0x40: {  	(tag) =	ssettag $0x2  }
0x41: {  	s0 =	rddreg [dreg:$0x0];
	s2 =	stileid.u32  }
0x42: {  	s1 =	rddreg [dreg:$0x1];
	p0 =	sne.s32 s2, $0x0  }
0x43: {  	s3 =	rddreg [dreg:$0x2];
	[bflag:$0x3] =	sbarrier.arrive $0xFFFF;
	s2 =	simm.s32 @!p0 $0x1C03  }
0x44: {  	[timem:s3], [sflag:s2] =	dma.local @!p0 [hbm:s0], s1  }
0x45: {  	s0 =	simm.s32 @!p0 $0x3  }
0x46: {  	_ =	swait.ge @!p0 [sflag:s0], s1  }
0x47: {  	s1 =	ssub.s32 @!p0 $0x0, s1;
	[sflag:s0] =	ssyncset.done @!p0 $0x0  }
0x48: {  	[sflag:s0] =	ssyncadd.s32 @!p0 s1  }
0x49: {  	[bflag:$0x3] =	sbarrier.arrive $0xFFFF  }
0x4a: {  	_ =	shalt  }

// kernel: kernel.13.cloned.1.call-start
scs
__scs_entry_jumppad:
0x0: {  	(pc) =	sbr.rel $0x88, $3  }
0x1: {  	(tag) =	ssettag $0x0;
	lr =	simm.s32 $0x1  }
0x2: {  	[smem:$0x3F98] =	sst lr;
	_ =	strace $0xD0000000  }
0x3: {  	_ = 	snop  }
0x4: {  	_ = 	snop  }
0x5: {  	_ = 	snop  }
0x6: {  	_ = 	snop  }
0x7: {  	_ = 	snop  }
__scs_overlays_trampoline_lowered:
0x8: {  	[smem:$0x3FA7] =	sst s0  }
0x9: {  	[smem:$0x3FA8] =	sst s1  }
0xa: {  	[smem:$0x3FA9] =	sst s2  }
0xb: {  	[smem:$0x3FAA] =	sst s3  }
0xc: {  	[smem:$0x3FAB] =	sst s4  }
0xd: {  	[smem:$0x3FAC] =	sst s5  }
0xe: {  	[smem:$0x3FAD] =	sst s6  }
0xf: {  	[smem:$0x3FAE] =	sst s7  }
0x10: {  	[smem:$0x3FAF] =	sst s8  }
0x11: {  	[smem:$0x3FB0] =	sst s9;
	s0 =	simm.s32 @!p0 $0x0  }
0x12: {  	s1 =	sld [smem:$0x3F96];
	s0 =	simm.s32 @p0 $0x1  }
0x13: {  	[smem:$0x3FB1] =	sst s0;
	s0 =	simm.s32 @!p1 $0x0  }
0x14: {  	s2 =	sld [smem:$0x3F95];
	s0 =	simm.s32 @p1 $0x1  }
0x15: {  	[smem:$0x3FB2] =	sst s0;
	s0 =	simm.s32 @!p2 $0x0  }
0x16: {  	s3 =	sld [smem:$0x3FDB];
	s0 =	simm.s32 @p2 $0x1  }
0x17: {  	s4 =	simm.s32 $0x1BF5;
	[smem:$0x3FB4] =	sst s0  }
0x18: {  	s0 =	sld [smem:$0x3F97];
	_ =	swait.ge [sflag:s4], $0x0  }
0x19: {  	s7 =	sld [smem:$0x3F98]  }
0x1a: {  	s8 =	sadd.s32 $0xFFFFE003, lr  }
0x1b: {  	s9 =	sadd.s32 $0xFFFFFEF7, lr;
	s5 =	simm.s32 $0xFFFFFFFF;
	p2 =	slt.u32 s8, $0xFFFFF086  }
0x1c: {  	p1 =	slt.u32 s9, $0xF7A;
	s5 =	simm.s32 @!p2 $0x0  }
0x1d: {  	s5 =	simm.s32 @p1 $0x1;
	p0 =	seq.s32 s7, s2  }
0x1e: {  	s7 =	smul.u32 @!p0 $0xF7A, s2;
	p2 =	seq.s32 @!p0 s5, $0x0  }
0x1f: {  	s9 =	smul.u32 $0xF7A, s1;
	s8 =	simm.s32 @!p0 $0x1BF5;
	p2 =	por !p2, p0  }
0x20: {  	[sflag:s8] =	ssyncset.s32 @!p0 $0xFFFFF086;
	s6 =	sadd.s32 @!p0 s3, s7;
	s7 =	simm.s32 @!p0 $0x108  }
0x21: {  	s3 =	sadd.s32 s3, s9;
	s6 =	sadd.s32 @!p0 $0x88, s6;
	s7 =	simm.s32 @p2 $0x1082  }
0x22: {  	[simem:s7], [sflag:s8] =	dma.local @!p0 [hbm:s6], $0xF7A  }
0x23: {  	s9 =	sor.u32 $0xD0000000, s2;
	s6 =	simm.s32 $0x108;
	_ =	swait.ge @!p0 [sflag:s8], $0x0  }
0x24: {  	s3 =	sadd.s32 $0x88, s3;
	s6 =	simm.s32 @!p1 $0x1082;
	[sflag:s4] =	ssyncset.s32 $0xFFFFF086  }
0x25: {  	[simem:s6], [sflag:s4] =	dma.local [hbm:s3], $0xF7A  }
0x26: {  	[smem:$0x3F98] =	sst s1;
	(tag) =	ssettag s2;
	_ =	strace s9  }
0x27: {  	s1 =	sld [smem:$0x3FA8]  }
0x28: {  	s2 =	sld [smem:$0x3FA9]  }
0x29: {  	s4 =	sld [smem:$0x3FAB]  }
0x2a: {  	p0 =	seq.s32 s5, $0x0;
	s5 =	sld [smem:$0x3FAC]  }
0x2b: {  	s6 =	sld [smem:$0x3FAD]  }
0x2c: {  	s7 =	sld [smem:$0x3FAE]  }
0x2d: {  	s3 =	simm.s32 $0x108;
	s8 =	sld [smem:$0x3FAF]  }
0x2e: {  	s3 =	simm.s32 @!p0 $0x1082;
	s9 =	sld [smem:$0x3FB0]  }
0x2f: {  	lr =	sadd.s32 s0, s3;
	s0 =	sld [smem:$0x3FA7]  }
0x30: {  	s3 =	sld [smem:$0x3FAA]  }
0x31: {  	[smem:$0x3FB3] =	sst s10  }
0x32: {  	s10 =	sld [smem:$0x3FB1];
	_ =	sdelay $0x3  }
0x33: {  	p0 =	seq.s32 s10, $0x1;
	s10 =	sld [smem:$0x3FB3];
	_ =	sdelay $0x3  }
0x34: {  	[smem:$0x3FB3] =	sst s10  }
0x35: {  	s10 =	sld [smem:$0x3FB2];
	_ =	sdelay $0x3  }
0x36: {  	p1 =	seq.s32 s10, $0x1;
	s10 =	sld [smem:$0x3FB3];
	_ =	sdelay $0x3  }
0x37: {  	[smem:$0x3FB3] =	sst s10  }
0x38: {  	s10 =	sld [smem:$0x3FB4]  }
0x39: {  	_ = 	snop;
	(pc) =	sbr.ind lr, $3  }
0x3a: {  	_ = 	snop  }
0x3b: {  	_ = 	snop  }
0x3c: {  	p2 =	seq.s32 s10, $0x1;
	s10 =	sld [smem:$0x3FB3]  }
0x3d: {  	_ =	shalt  }
0x3e: {  	_ =	shalt  }
0x3f: {  	_ =	shalt  }
0x40: {  	_ =	shalt  }
0x41: {  	_ =	shalt  }
0x42: {  	_ =	shalt  }
0x43: {  	_ =	shalt  }
0x44: {  	_ =	shalt  }
0x45: {  	_ =	shalt  }
0x46: {  	_ =	shalt  }
0x47: {  	_ =	shalt  }
0x48: {  	_ =	shalt  }
0x49: {  	_ =	shalt  }
0x4a: {  	_ =	shalt  }
0x4b: {  	_ =	shalt  }
0x4c: {  	_ =	shalt  }
0x4d: {  	_ =	shalt  }
0x4e: {  	_ =	shalt  }
0x4f: {  	_ =	shalt  }
0x50: {  	_ =	shalt  }
0x51: {  	_ =	shalt  }
0x52: {  	_ =	shalt  }
0x53: {  	_ =	shalt  }
0x54: {  	_ =	shalt  }
0x55: {  	_ =	shalt  }
0x56: {  	_ =	shalt  }
0x57: {  	_ =	shalt  }
0x58: {  	_ =	shalt  }
0x59: {  	_ =	shalt  }
0x5a: {  	_ =	shalt  }
0x5b: {  	_ =	shalt  }
0x5c: {  	_ =	shalt  }
0x5d: {  	_ =	shalt  }
0x5e: {  	_ =	shalt  }
0x5f: {  	_ =	shalt  }
0x60: {  	_ =	shalt  }
0x61: {  	_ =	shalt  }
0x62: {  	_ =	shalt  }
0x63: {  	_ =	shalt  }
0x64: {  	_ =	shalt  }
0x65: {  	_ =	shalt  }
0x66: {  	_ =	shalt  }
0x67: {  	_ =	shalt  }
0x68: {  	_ =	shalt  }
0x69: {  	_ =	shalt  }
0x6a: {  	_ =	shalt  }
0x6b: {  	_ =	shalt  }
0x6c: {  	_ =	shalt  }
0x6d: {  	_ =	shalt  }
0x6e: {  	_ =	shalt  }
0x6f: {  	_ =	shalt  }
0x70: {  	_ =	shalt  }
0x71: {  	_ =	shalt  }
0x72: {  	_ =	shalt  }
0x73: {  	_ =	shalt  }
0x74: {  	_ =	shalt  }
0x75: {  	_ =	shalt  }
0x76: {  	_ =	shalt  }
0x77: {  	_ =	shalt  }
0x78: {  	_ =	shalt  }
0x79: {  	_ =	shalt  }
0x7a: {  	_ =	shalt  }
0x7b: {  	_ =	shalt  }
0x7c: {  	_ =	shalt  }
0x7d: {  	_ =	shalt  }
0x7e: {  	_ =	shalt  }
0x7f: {  	_ =	shalt  }
0x80: {  	_ =	shalt  }
0x81: {  	_ =	shalt  }
0x82: {  	_ =	shalt  }
0x83: {  	_ =	shalt  }
0x84: {  	_ =	shalt  }
0x85: {  	_ =	shalt  }
0x86: {  	_ =	shalt  }
0x87: {  	_ =	shalt  }
.Lfunc_end0:
.L_simem_size_0:
called_computation.1_lowered:
.L_overlay_start_0:
0x88: {  	s2 =	sld [smem:$0x3FD9]  }
0x89: {  	s3 =	sld [smem:$0x3FFE];
	_ =	sdelay $0x1  }
0x8a: {  	s1 =	srdreg.scid  }
0x8b: {  	s0 =	sand.u32 $0x1, s1  }
0x8c: {  	s17 =	sshll.u32 s0, $0xA;
	s2 =	sadd.s32 s3, s2  }
0x8d: {  	s2 =	sadd.s32 s2, s17  }
0x8e: {  	[smem:$0x3FBF] =	sst s2  }
0x8f: {  	_ = 	snop  }
0x90: {  	(tm) =	ssettm $0x1  }
0x91: {  	s18 =	sld [smem:$0x3FFB];
	_ =	sdelay $0x3  }
0x92: {  	_ =	strace s18  }
0x93: {  	s2 =	sld [smem:$0x3FFC];
	_ =	sdelay $0x3  }
0x94: {  	_ =	strace s2  }
0x95: {  	s2 =	sld [smem:$0x3FFD];
	_ =	sdelay $0x3  }
0x96: {  	_ =	strace s2  }
0x97: {  	_ =	strace $0x8FFFFFFF  }
0x98: {  	s19 =	sld [smem:$0x3FDB];
	_ =	sdelay $0x1  }
0x99: {  	s20 =	simm.s32 $_scs_section_size  }
0x9a: {  	s4 =	simm.s32 $_size__tile_overlayer_lowered;
	s5 =	simm.s32 $_tile_overlayer_lowered  }
0x9b: {  	s6 =	simm.s32 $0x1BFF;
	s21 =	sshll.u32 s5, $0x1;
	s3 =	sadd.s32 s20, s19  }
0x9c: {  	s22 =	simm.s32 $0x0;
	s4 =	sshll.u32 s4, $0x1;
	s5 =	sadd.s32 s21, s3  }
0x9d: {  	[timem:s22], [sflag:s6] =	dma.local [hbm:s5], s4  }
0x9e: {  	_ =	swait.ge [sflag:s6], s4  }
0x9f: {  	s4 =	ssub.s32 $0x0, s4;
	[sflag:s6] =	ssyncset.done $0x0  }
0xa0: {  	[sflag:s6] =	ssyncadd.s32 s4;
	_ =	sdelay $0x1  }
0xa1: {  	s23 =	simm.s32 $0x1B8B  }
0xa2: {  	_ =	swait.ge [sflag:s23], $0x1  }
0xa3: {  	[sflag:s23] =	ssyncset.done $0x0  }
0xa4: {  	[sflag:s23] =	ssyncadd.s32 $0xFFFFFFFF  }
0xa5: {  	s4 =	sld [smem:$0x0]  }
0xa6: {  	s5 =	sand.u32 $0xFFFFFFFE, s1  }
0xa7: {  	p0 =	sne.s32 s1, s5  }
0xa8: {  	s5 =	sshll.u32 @p0 s5, $0xE  }
0xa9: {  	s5 =	sadd.s32 @p0 $0x11B8D, s5;
	s6 =	sshll.u32 @p0 s4, $0x11  }
0xaa: {  	s5 =	sor.u32 @p0 s6, s5  }
0xab: {  	[sflag:s5] =	ssyncadd.remote.s32 @p0 $0x1;
	_ =	sdelay $0x1  }
0xac: {  	s5 =	simm.s32 @p0 $0x1B8D  }
0xad: {  	_ =	swait.eq @p0 [sflag:s5], $0x1  }
0xae: {  	[sflag:s5] =	ssyncadd.s32 @p0 $0xFFFFFFFF  }
0xaf: {  	s6 =	sshll.u32 @!p0 s1, $0xE  }
0xb0: {  	s6 =	sor.u32 @!p0 $0x4000, s6;
	s5 =	simm.s32 @!p0 $0x1B8D  }
0xb1: {  	s4 =	sshll.u32 @!p0 s4, $0x11;
	s6 =	sadd.s32 @!p0 $0x11B8D, s6;
	_ =	swait.eq @!p0 [sflag:s5], $0x1  }
0xb2: {  	s4 =	sor.u32 @!p0 s4, s6;
	[sflag:s5] =	ssyncadd.s32 @!p0 $0xFFFFFFFF  }
0xb3: {  	s25 =	simm.s32 $0x1B8E;
	s24 =	sld [smem:$0x3FFE];
	[sflag:s4] =	ssyncadd.remote.s32 @!p0 $0x1  }
0xb4: {  	s26 =	simm.s32 $execute0_lowered;
	[smem:$0x3FD2] =	sst s25  }
0xb5: {  	s5 =	sshll.u32 s26, $0x1;
	_ =	strace $0x8000004C;
	[dreg:$0x1] =	wrdreg $0xFFFFFFFF  }
0xb6: {  	s28 =	simm.s32 $_size_execute0_lowered;
	s3 =	sadd.s32 s3, s5;
	[dreg:$0x0] =	wrdreg $0x0  }
0xb7: {  	s5 =	sshll.u32 s28, $0x1;
	[dreg:$0x2] =	wrdreg s3  }
0xb8: {  	[dreg:$0x3] =	wrdreg s5  }
0xb9: {  	[dreg:$0x4] =	wrdreg $0xC0  }
0xba: {  	_ =	task [dreg:s22], $0x5FFFF  }
0xbb: {  	[dreg:$0x1] =	wrdreg $0xFFFFFFFF  }
0xbc: {  	[dreg:$0x0] =	wrdreg $0x60  }
0xbd: {  	[dreg:$0x2] =	wrdreg s24  }
0xbe: {  	[dreg:$0x3] =	wrdreg $0xA  }
0xbf: {  	_ =	task.clear_ibuf [dreg:s22], $0x4FFFF;
	_ =	strace $0x9000004C  }
0xc0: {  	s29 =	simm.s32 $0xA;
	_ =	strace $0x8000004E  }
0xc1: {  	_ =	swait.ge [sflag:s29], $0x1  }
0xc2: {  	[sflag:s29] =	ssyncadd.s32 $0xFFFFFFFF  }
0xc3: {  	_ =	strace $0x9000004E  }
0xc4: {  	_ =	sfence  }
0xc5: {  	s30 =	sld [smem:$0x0];
	_ =	sdelay $0x2  }
0xc6: {  	s31 =	sshll.u32 s1, $0xD;
	s1 =	sshrl.u32 s1, $0x2  }
0xc7: {  	s4 =	sand.u32 $0x4000, s31;
	s1 =	sadd.s32 s1, s30  }
0xc8: {  	s0 =	sor.u32 s4, s0;
	s1 =	sshll.u32 s1, $0x11  }
0xc9: {  	s0 =	sor.u32 s1, s0  }
0xca: {  	s0 =	sadd.s32 $0x8F2B, s0  }
0xcb: {  	[sflag:s0] =	ssyncadd.remote.s32 $0x1  }
0xcc: {  	_ =	sfence.sel $0xFFFF  }
0xcd: {  	[dreg:$0x0] =	wrdreg $0xFFFFFFFF;
	(pc) =	sbr.abs _section_cstart, $3  }
0xce: {  	[dreg:$0x1] =	wrdreg $0xFFFFFFFF  }
0xcf: {  	_ =	task.clear_ibuf [dreg:s22], $0x2FFFF;
	_ =	strace $0x9FFFFFFF  }
0xd0: {  	(tm) =	ssettm $0x7FFFFFFF  }
0xd1: {  	_ =	shalt  }
tec
execute0_lowered:
.L_overlay_start_1:
0x0: {  	(tag) =	ssettag $0x1  }
0x1: {  	s1 =	srdreg.scid  }
0x2: {  	s0 =	stileid.u32;
	s5 =	rddreg [dreg:$0x0];
	s2 =	simm.s32 $0x0  }
0x3: {  	s11 =	simm.s32 $0xD00;
	s12 =	simm.s32 $0x2D00;
	s13 =	simm.s32 $0x1  }
0x4: {  	s14 =	simm.s32 $0x100;
	s15 =	simm.s32 $0x4D00;
	s16 =	simm.s32 $0x180  }
0x5: {  	s17 =	simm.s32 $0x6D00;
	s18 =	simm.s32 $0x2;
	s4 =	sand.u32 $0x1, s1  }
0x6: {  	s28 =	sshll.u32 s0, $0x1;
	s1 =	rddreg [dreg:$0x1];
	s8 =	smul.u32 $0x68000, s0  }
0x7: {  	s3 =	sor.u32 s4, s28;
	s9 =	ssub.s32 $0x2, s4;
	s4 =	smul.u32 $0x34000, s4  }
0x8: {  	s19 =	simm.s32 $0x0;
	[smem:$0x7FF] =	sst s2;
	s6 =	smul.u32 $0x1A0, s3  }
0x9: {  	s10 =	sadd.s32 $0x1DFE00, s5;
	s7 =	smul.u32 $0x34000, s3;
	s29 =	sshrl.u32 s9, $0x1  }
0xa: {  	_ =	strace $0x8000004D;
	s3 =	sadd.s32 $0x6800, s5;
	s9 =	ssub.s32 s9, s29  }
0xb: {  	s31 =	sadd.s32 s4, s8;
	s6 =	sadd.s32 s6, s5;
	s30 =	sshrl.u32 s7, $0x3  }
0xc: {  	s8 =	sadd.s32 $0x4000, s31;
	s4 =	sadd.s32 $0x1DCA00, s6;
	s5 =	sadd.s32 s10, s30  }
0xd: {  	s6 =	smax.u32 s9, $0x1;
	s8 =	sshrl.u32 s8, $0x3;
	s9 =	simm.s32 $0x3  }
0xe: {  	s7 =	sadd.s32 $0x400, s5;
	s8 =	sadd.s32 s8, s10;
	s10 =	simm.s32 $0x80  }
.LBB2_1:
0xf: {  	[tilespmem:s2], [sflag:$0x3] =	stream.linear.gather [hbm4b:s4+s2], $0xD00, $0x38;
	[tilespmem:$0x8D00] =	vst v63  }
0x10: {  	_ =	swait.ge [sflag:s9], $0xD00  }
0x11: {  	[sflag:s9] =	ssyncset.done $0x0  }
0x12: {  	[sflag:s9] =	ssyncadd.s32 $0xFFFFF300  }
0x13: {  	[tilespmem:s11], [sflag:$0x1] =	stream.indirect.gather [hbm4b:s3+s10], $0x40, s2, s10, $0xb8;
	[tilespmem:$0x8D00] =	vst v63  }
0x14: {  	_ = 	snop  }
0x15: {  	[tilespmem:s12], [sflag:$0x1] =	stream.indirect.gather [hbm4b:s3+s10], $0x40, s10, s10, $0xb8;
	[tilespmem:$0x8D00] =	vst v63  }
0x16: {  	_ =	swait.ge [sflag:s13], $0x2000  }
0x17: {  	[sflag:s13] =	ssyncset.done $0x0  }
0x18: {  	[sflag:s13] =	ssyncadd.s32 $0xFFFFE000  }
0x19: {  	[hbm4b:s5+s2] =	stream.linear.scatter [tilespmem:s11], [sflag:$0x2], $0x2000, $0x38;
	[tilespmem:$0x8D00] =	vst v63  }
0x1a: {  	_ = 	snop  }
0x1b: {  	[tilespmem:s15], [sflag:$0x1] =	stream.indirect.gather [hbm4b:s3+s10], $0x40, s14, s10, $0xb8;
	[tilespmem:$0x8D00] =	vst v63  }
0x1c: {  	_ =	swait.ge [sflag:s13], $0x2000  }
0x1d: {  	[sflag:s13] =	ssyncset.done $0x0  }
0x1e: {  	[sflag:s13] =	ssyncadd.s32 $0xFFFFE000  }
0x1f: {  	[hbm4b:s7+s2] =	stream.linear.scatter [tilespmem:s12], [sflag:$0x2], $0x2000, $0x38;
	[tilespmem:$0x8D00] =	vst v63  }
0x20: {  	s23 =	simm.s32 $0x20000;
	s21 =	simm.s32 $0x10000;
	s20 =	simm.s32 $0x200  }
0x21: {  	[tilespmem:s17], [sflag:$0x1] =	stream.indirect.gather [hbm4b:s3+s10], $0x40, s16, s10, $0xb8;
	[tilespmem:$0x8D00] =	vst v63  }
0x22: {  	p0 =	por $0x0, $0x0;
	s22 =	sand.u32 $0x18000, s21;
	_ =	swait.ge [sflag:s13], $0x2000  }
0x23: {  	s21 =	simm.s32 $0x3;
	s24 =	sshrl.u32 s22, $0x2;
	[sflag:s13] =	ssyncset.done $0x0  }
0x24: {  	s26 =	simm.s32 @!p0 $0x80;
	s24 =	sor.u32 $0xD00, s24;
	[sflag:s13] =	ssyncadd.s32 $0xFFFFE000  }
0x25: {  	[hbm4b:s8+s2] =	stream.linear.scatter [tilespmem:s24], [sflag:$0x2], $0x2000, $0x38;
	[tilespmem:$0x8D00] =	vst v63  }
0x26: {  	s22 =	simm.s32 $0x280;
	s24 =	sand.u32 @!p0 $0x18000, s23;
	_ =	swait.ge [sflag:s18], $0x2000  }
0x27: {  	s23 =	simm.s32 $0x28000;
	s25 =	sshrl.u32 @!p0 s24, $0x2;
	[sflag:s18] =	ssyncset.done $0x0  }
0x28: {  	s24 =	sadd.s32 $0x400, s8;
	s25 =	sor.u32 @!p0 $0xD00, s25;
	[sflag:s18] =	ssyncadd.s32 $0xFFFFE000  }
.LBB2_2:
0x29: {  	[tilespmem:s25], [sflag:$0x1] =	stream.indirect.gather @!p0 [hbm4b:s3+s26], $0x40, s20, s26, $0xb8;
	[tilespmem:$0x8D00] =	vst v63  }
0x2a: {  	s25 =	smov.u32 s21;
	s20 =	smov.u32 s22  }
0x2b: {  	s26 =	sadd.s32 $0xFFFF0000, s23;
	s21 =	sadd.s32 $0x1, s21;
	_ =	swait.ge [sflag:s13], $0x2000  }
0x2c: {  	s26 =	sand.u32 $0x18000, s26;
	p1 =	sne.s32 s21, $0x1A;
	[sflag:s13] =	ssyncset.done $0x0  }
0x2d: {  	s22 =	sadd.s32 $0x80, s22;
	s26 =	sshrl.u32 s26, $0x2;
	[sflag:s13] =	ssyncadd.s32 $0xFFFFE000  }
.Ltmp0:
0x2e: {  	p0 =	sgt.u32 s25, $0x17;
	s26 =	sor.u32 $0xD00, s26;
	(pc) =	sbr.rel @p1 .LBB2_2-.Ltmp0, $4  }
0x2f: {  	[hbm4b:s24+s2] =	stream.linear.scatter [tilespmem:s26], [sflag:$0x2], $0x2000, $0x38;
	[tilespmem:$0x8D00] =	vst v63  }
0x30: {  	s25 =	sand.u32 @!p0 $0x18000, s23;
	s23 =	sadd.s32 $0x8000, s23;
	_ =	swait.ge [sflag:s18], $0x2000  }
0x31: {  	s25 =	sshrl.u32 @!p0 s25, $0x2;
	s24 =	sadd.s32 $0x400, s24;
	[sflag:s18] =	ssyncset.done $0x0  }
0x32: {  	s25 =	sor.u32 @!p0 $0xD00, s25;
	s26 =	simm.s32 @!p0 $0x80;
	[sflag:s18] =	ssyncadd.s32 $0xFFFFE000  }
0x33: {  	[tilespmem:s25], [sflag:$0x1] =	stream.indirect.gather @!p0 [hbm4b:s3+s26], $0x40, s20, s26, $0xb8;
	[tilespmem:$0x8D00] =	vst v63  }
0x34: {  	s19 =	sadd.s32 $0x1, s19  }
0x35: {  	_ =	swait.ge [sflag:s18], $0x2000;
	p0 =	sne.s32 s19, s6  }
.Ltmp1:
0x36: {  	[sflag:s18] =	ssyncset.done $0x0;
	(pc) =	sbr.rel @p0 .LBB2_1-.Ltmp1, $4  }
0x37: {  	[sflag:s18] =	ssyncadd.s32 $0xFFFFE000  }
0x38: {  	_ =	swait.ge [sflag:s18], $0x2000  }
0x39: {  	[sflag:s18] =	ssyncset.done $0x0  }
0x3a: {  	[sflag:s18] =	ssyncadd.s32 $0xFFFFE000  }
0x3b: {  	_ =	sfence.sel $0x180000  }
0x3c: {  	[bflag:$0x0] =	sbarrier.arrive $0xFFFF  }
0x3d: {  	p0 =	sne.s32 s0, $0x0;
	_ =	strace $0x9000004D  }
0x3e: {  	s0 =	sadd.s32 @!p0 $0x100000, s1;
	[bflag:$0x2] =	sbarrier.arrive $0xFFFF  }
0x3f: {  	[sflag:s0] =	ssyncadd.tile.s32 @!p0 $0x1;
	_ =	shalt  }
.Lfunc_end2:
_tile_overlayer_lowered:
.L_overlay_start_2:
0x40: {  	(tag) =	ssettag $0x2  }
0x41: {  	s0 =	rddreg [dreg:$0x0];
	s2 =	stileid.u32  }
0x42: {  	s1 =	rddreg [dreg:$0x1];
	p0 =	sne.s32 s2, $0x0  }
0x43: {  	s3 =	rddreg [dreg:$0x2];
	[bflag:$0x3] =	sbarrier.arrive $0xFFFF;
	s2 =	simm.s32 @!p0 $0x1C03  }
0x44: {  	[timem:s3], [sflag:s2] =	dma.local @!p0 [hbm:s0], s1  }
0x45: {  	s0 =	simm.s32 @!p0 $0x3  }
0x46: {  	_ =	swait.ge @!p0 [sflag:s0], s1  }
0x47: {  	s1 =	ssub.s32 @!p0 $0x0, s1;
	[sflag:s0] =	ssyncset.done @!p0 $0x0  }
0x48: {  	[sflag:s0] =	ssyncadd.s32 @!p0 s1  }
0x49: {  	[bflag:$0x3] =	sbarrier.arrive $0xFFFF  }
0x4a: {  	_ =	shalt  }

// kernel: kernel.16.cloned.1.call-start
scs
__scs_entry_jumppad:
0x0: {  	(pc) =	sbr.rel $0x88, $3  }
0x1: {  	(tag) =	ssettag $0x0;
	lr =	simm.s32 $0x1  }
0x2: {  	[smem:$0x3F98] =	sst lr;
	_ =	strace $0xD0000000  }
0x3: {  	_ = 	snop  }
0x4: {  	_ = 	snop  }
0x5: {  	_ = 	snop  }
0x6: {  	_ = 	snop  }
0x7: {  	_ = 	snop  }
__scs_overlays_trampoline_lowered:
0x8: {  	[smem:$0x3FA7] =	sst s0  }
0x9: {  	[smem:$0x3FA8] =	sst s1  }
0xa: {  	[smem:$0x3FA9] =	sst s2  }
0xb: {  	[smem:$0x3FAA] =	sst s3  }
0xc: {  	[smem:$0x3FAB] =	sst s4  }
0xd: {  	[smem:$0x3FAC] =	sst s5  }
0xe: {  	[smem:$0x3FAD] =	sst s6  }
0xf: {  	[smem:$0x3FAE] =	sst s7  }
0x10: {  	[smem:$0x3FAF] =	sst s8  }
0x11: {  	[smem:$0x3FB0] =	sst s9;
	s0 =	simm.s32 @!p0 $0x0  }
0x12: {  	s1 =	sld [smem:$0x3F96];
	s0 =	simm.s32 @p0 $0x1  }
0x13: {  	[smem:$0x3FB1] =	sst s0;
	s0 =	simm.s32 @!p1 $0x0  }
0x14: {  	s2 =	sld [smem:$0x3F95];
	s0 =	simm.s32 @p1 $0x1  }
0x15: {  	[smem:$0x3FB2] =	sst s0;
	s0 =	simm.s32 @!p2 $0x0  }
0x16: {  	s3 =	sld [smem:$0x3FDB];
	s0 =	simm.s32 @p2 $0x1  }
0x17: {  	s4 =	simm.s32 $0x1BF5;
	[smem:$0x3FB4] =	sst s0  }
0x18: {  	s0 =	sld [smem:$0x3F97];
	_ =	swait.ge [sflag:s4], $0x0  }
0x19: {  	s7 =	sld [smem:$0x3F98]  }
0x1a: {  	s8 =	sadd.s32 $0xFFFFE003, lr  }
0x1b: {  	s9 =	sadd.s32 $0xFFFFFEF7, lr;
	s5 =	simm.s32 $0xFFFFFFFF;
	p2 =	slt.u32 s8, $0xFFFFF086  }
0x1c: {  	p1 =	slt.u32 s9, $0xF7A;
	s5 =	simm.s32 @!p2 $0x0  }
0x1d: {  	s5 =	simm.s32 @p1 $0x1;
	p0 =	seq.s32 s7, s2  }
0x1e: {  	s7 =	smul.u32 @!p0 $0xF7A, s2;
	p2 =	seq.s32 @!p0 s5, $0x0  }
0x1f: {  	s9 =	smul.u32 $0xF7A, s1;
	s8 =	simm.s32 @!p0 $0x1BF5;
	p2 =	por !p2, p0  }
0x20: {  	[sflag:s8] =	ssyncset.s32 @!p0 $0xFFFFF086;
	s6 =	sadd.s32 @!p0 s3, s7;
	s7 =	simm.s32 @!p0 $0x108  }
0x21: {  	s3 =	sadd.s32 s3, s9;
	s6 =	sadd.s32 @!p0 $0x88, s6;
	s7 =	simm.s32 @p2 $0x1082  }
0x22: {  	[simem:s7], [sflag:s8] =	dma.local @!p0 [hbm:s6], $0xF7A  }
0x23: {  	s9 =	sor.u32 $0xD0000000, s2;
	s6 =	simm.s32 $0x108;
	_ =	swait.ge @!p0 [sflag:s8], $0x0  }
0x24: {  	s3 =	sadd.s32 $0x88, s3;
	s6 =	simm.s32 @!p1 $0x1082;
	[sflag:s4] =	ssyncset.s32 $0xFFFFF086  }
0x25: {  	[simem:s6], [sflag:s4] =	dma.local [hbm:s3], $0xF7A  }
0x26: {  	[smem:$0x3F98] =	sst s1;
	(tag) =	ssettag s2;
	_ =	strace s9  }
0x27: {  	s1 =	sld [smem:$0x3FA8]  }
0x28: {  	s2 =	sld [smem:$0x3FA9]  }
0x29: {  	s4 =	sld [smem:$0x3FAB]  }
0x2a: {  	p0 =	seq.s32 s5, $0x0;
	s5 =	sld [smem:$0x3FAC]  }
0x2b: {  	s6 =	sld [smem:$0x3FAD]  }
0x2c: {  	s7 =	sld [smem:$0x3FAE]  }
0x2d: {  	s3 =	simm.s32 $0x108;
	s8 =	sld [smem:$0x3FAF]  }
0x2e: {  	s3 =	simm.s32 @!p0 $0x1082;
	s9 =	sld [smem:$0x3FB0]  }
0x2f: {  	lr =	sadd.s32 s0, s3;
	s0 =	sld [smem:$0x3FA7]  }
0x30: {  	s3 =	sld [smem:$0x3FAA]  }
0x31: {  	[smem:$0x3FB3] =	sst s10  }
0x32: {  	s10 =	sld [smem:$0x3FB1];
	_ =	sdelay $0x3  }
0x33: {  	p0 =	seq.s32 s10, $0x1;
	s10 =	sld [smem:$0x3FB3];
	_ =	sdelay $0x3  }
0x34: {  	[smem:$0x3FB3] =	sst s10  }
0x35: {  	s10 =	sld [smem:$0x3FB2];
	_ =	sdelay $0x3  }
0x36: {  	p1 =	seq.s32 s10, $0x1;
	s10 =	sld [smem:$0x3FB3];
	_ =	sdelay $0x3  }
0x37: {  	[smem:$0x3FB3] =	sst s10  }
0x38: {  	s10 =	sld [smem:$0x3FB4]  }
0x39: {  	_ = 	snop;
	(pc) =	sbr.ind lr, $3  }
0x3a: {  	_ = 	snop  }
0x3b: {  	_ = 	snop  }
0x3c: {  	p2 =	seq.s32 s10, $0x1;
	s10 =	sld [smem:$0x3FB3]  }
0x3d: {  	_ =	shalt  }
0x3e: {  	_ =	shalt  }
0x3f: {  	_ =	shalt  }
0x40: {  	_ =	shalt  }
0x41: {  	_ =	shalt  }
0x42: {  	_ =	shalt  }
0x43: {  	_ =	shalt  }
0x44: {  	_ =	shalt  }
0x45: {  	_ =	shalt  }
0x46: {  	_ =	shalt  }
0x47: {  	_ =	shalt  }
0x48: {  	_ =	shalt  }
0x49: {  	_ =	shalt  }
0x4a: {  	_ =	shalt  }
0x4b: {  	_ =	shalt  }
0x4c: {  	_ =	shalt  }
0x4d: {  	_ =	shalt  }
0x4e: {  	_ =	shalt  }
0x4f: {  	_ =	shalt  }
0x50: {  	_ =	shalt  }
0x51: {  	_ =	shalt  }
0x52: {  	_ =	shalt  }
0x53: {  	_ =	shalt  }
0x54: {  	_ =	shalt  }
0x55: {  	_ =	shalt  }
0x56: {  	_ =	shalt  }
0x57: {  	_ =	shalt  }
0x58: {  	_ =	shalt  }
0x59: {  	_ =	shalt  }
0x5a: {  	_ =	shalt  }
0x5b: {  	_ =	shalt  }
0x5c: {  	_ =	shalt  }
0x5d: {  	_ =	shalt  }
0x5e: {  	_ =	shalt  }
0x5f: {  	_ =	shalt  }
0x60: {  	_ =	shalt  }
0x61: {  	_ =	shalt  }
0x62: {  	_ =	shalt  }
0x63: {  	_ =	shalt  }
0x64: {  	_ =	shalt  }
0x65: {  	_ =	shalt  }
0x66: {  	_ =	shalt  }
0x67: {  	_ =	shalt  }
0x68: {  	_ =	shalt  }
0x69: {  	_ =	shalt  }
0x6a: {  	_ =	shalt  }
0x6b: {  	_ =	shalt  }
0x6c: {  	_ =	shalt  }
0x6d: {  	_ =	shalt  }
0x6e: {  	_ =	shalt  }
0x6f: {  	_ =	shalt  }
0x70: {  	_ =	shalt  }
0x71: {  	_ =	shalt  }
0x72: {  	_ =	shalt  }
0x73: {  	_ =	shalt  }
0x74: {  	_ =	shalt  }
0x75: {  	_ =	shalt  }
0x76: {  	_ =	shalt  }
0x77: {  	_ =	shalt  }
0x78: {  	_ =	shalt  }
0x79: {  	_ =	shalt  }
0x7a: {  	_ =	shalt  }
0x7b: {  	_ =	shalt  }
0x7c: {  	_ =	shalt  }
0x7d: {  	_ =	shalt  }
0x7e: {  	_ =	shalt  }
0x7f: {  	_ =	shalt  }
0x80: {  	_ =	shalt  }
0x81: {  	_ =	shalt  }
0x82: {  	_ =	shalt  }
0x83: {  	_ =	shalt  }
0x84: {  	_ =	shalt  }
0x85: {  	_ =	shalt  }
0x86: {  	_ =	shalt  }
0x87: {  	_ =	shalt  }
.Lfunc_end0:
.L_simem_size_0:
called_computation.2_lowered:
.L_overlay_start_0:
0x88: {  	s2 =	sld [smem:$0x3FD9]  }
0x89: {  	s3 =	sld [smem:$0x3FFE];
	_ =	sdelay $0x1  }
0x8a: {  	s1 =	srdreg.scid  }
0x8b: {  	s0 =	sand.u32 $0x1, s1  }
0x8c: {  	s17 =	sshll.u32 s0, $0xA;
	s2 =	sadd.s32 s3, s2  }
0x8d: {  	s2 =	sadd.s32 s2, s17  }
0x8e: {  	[smem:$0x3FBF] =	sst s2  }
0x8f: {  	_ = 	snop  }
0x90: {  	(tm) =	ssettm $0x1  }
0x91: {  	s18 =	sld [smem:$0x3FFB];
	_ =	sdelay $0x3  }
0x92: {  	_ =	strace s18  }
0x93: {  	s2 =	sld [smem:$0x3FFC];
	_ =	sdelay $0x3  }
0x94: {  	_ =	strace s2  }
0x95: {  	s2 =	sld [smem:$0x3FFD];
	_ =	sdelay $0x3  }
0x96: {  	_ =	strace s2  }
0x97: {  	_ =	strace $0x8FFFFFFF  }
0x98: {  	s19 =	sld [smem:$0x3FDB];
	_ =	sdelay $0x1  }
0x99: {  	s20 =	simm.s32 $_scs_section_size  }
0x9a: {  	s4 =	simm.s32 $_size__tile_overlayer_lowered;
	s5 =	simm.s32 $_tile_overlayer_lowered  }
0x9b: {  	s6 =	simm.s32 $0x1BFF;
	s21 =	sshll.u32 s5, $0x1;
	s3 =	sadd.s32 s20, s19  }
0x9c: {  	s22 =	simm.s32 $0x0;
	s4 =	sshll.u32 s4, $0x1;
	s5 =	sadd.s32 s21, s3  }
0x9d: {  	[timem:s22], [sflag:s6] =	dma.local [hbm:s5], s4  }
0x9e: {  	_ =	swait.ge [sflag:s6], s4  }
0x9f: {  	s4 =	ssub.s32 $0x0, s4;
	[sflag:s6] =	ssyncset.done $0x0  }
0xa0: {  	[sflag:s6] =	ssyncadd.s32 s4;
	_ =	sdelay $0x1  }
0xa1: {  	s23 =	simm.s32 $0x1B8B  }
0xa2: {  	_ =	swait.ge [sflag:s23], $0x1  }
0xa3: {  	[sflag:s23] =	ssyncset.done $0x0  }
0xa4: {  	[sflag:s23] =	ssyncadd.s32 $0xFFFFFFFF  }
0xa5: {  	s4 =	sld [smem:$0x0]  }
0xa6: {  	s5 =	sand.u32 $0xFFFFFFFE, s1  }
0xa7: {  	p0 =	sne.s32 s1, s5  }
0xa8: {  	s5 =	sshll.u32 @p0 s5, $0xE  }
0xa9: {  	s5 =	sadd.s32 @p0 $0x11B8D, s5;
	s6 =	sshll.u32 @p0 s4, $0x11  }
0xaa: {  	s5 =	sor.u32 @p0 s6, s5  }
0xab: {  	[sflag:s5] =	ssyncadd.remote.s32 @p0 $0x1;
	_ =	sdelay $0x1  }
0xac: {  	s5 =	simm.s32 @p0 $0x1B8D  }
0xad: {  	_ =	swait.eq @p0 [sflag:s5], $0x1  }
0xae: {  	[sflag:s5] =	ssyncadd.s32 @p0 $0xFFFFFFFF  }
0xaf: {  	s6 =	sshll.u32 @!p0 s1, $0xE  }
0xb0: {  	s6 =	sor.u32 @!p0 $0x4000, s6;
	s5 =	simm.s32 @!p0 $0x1B8D  }
0xb1: {  	s4 =	sshll.u32 @!p0 s4, $0x11;
	s6 =	sadd.s32 @!p0 $0x11B8D, s6;
	_ =	swait.eq @!p0 [sflag:s5], $0x1  }
0xb2: {  	s4 =	sor.u32 @!p0 s4, s6;
	[sflag:s5] =	ssyncadd.s32 @!p0 $0xFFFFFFFF  }
0xb3: {  	s25 =	simm.s32 $0x1B8E;
	s24 =	sld [smem:$0x3FFE];
	[sflag:s4] =	ssyncadd.remote.s32 @!p0 $0x1  }
0xb4: {  	s26 =	simm.s32 $execute0_lowered;
	[smem:$0x3FD2] =	sst s25  }
0xb5: {  	s5 =	sshll.u32 s26, $0x1;
	_ =	strace $0x80000049;
	[dreg:$0x1] =	wrdreg $0xFFFFFFFF  }
0xb6: {  	s28 =	simm.s32 $_size_execute0_lowered;
	s3 =	sadd.s32 s3, s5;
	[dreg:$0x0] =	wrdreg $0x0  }
0xb7: {  	s5 =	sshll.u32 s28, $0x1;
	[dreg:$0x2] =	wrdreg s3  }
0xb8: {  	[dreg:$0x3] =	wrdreg s5  }
0xb9: {  	[dreg:$0x4] =	wrdreg $0xC0  }
0xba: {  	_ =	task [dreg:s22], $0x5FFFF  }
0xbb: {  	[dreg:$0x1] =	wrdreg $0xFFFFFFFF  }
0xbc: {  	[dreg:$0x0] =	wrdreg $0x60  }
0xbd: {  	[dreg:$0x2] =	wrdreg s24  }
0xbe: {  	[dreg:$0x3] =	wrdreg $0xB  }
0xbf: {  	_ =	task.clear_ibuf [dreg:s22], $0x4FFFF;
	_ =	strace $0x90000049  }
0xc0: {  	s29 =	simm.s32 $0xB;
	_ =	strace $0x8000004B  }
0xc1: {  	_ =	swait.ge [sflag:s29], $0x1  }
0xc2: {  	[sflag:s29] =	ssyncadd.s32 $0xFFFFFFFF  }
0xc3: {  	_ =	strace $0x9000004B  }
0xc4: {  	_ =	sfence  }
0xc5: {  	s30 =	sld [smem:$0x0];
	_ =	sdelay $0x2  }
0xc6: {  	s31 =	sshll.u32 s1, $0xD;
	s1 =	sshrl.u32 s1, $0x2  }
0xc7: {  	s4 =	sand.u32 $0x4000, s31;
	s1 =	sadd.s32 s1, s30  }
0xc8: {  	s0 =	sor.u32 s4, s0;
	s1 =	sshll.u32 s1, $0x11  }
0xc9: {  	s0 =	sor.u32 s1, s0  }
0xca: {  	s0 =	sadd.s32 $0x8F2B, s0  }
0xcb: {  	[sflag:s0] =	ssyncadd.remote.s32 $0x1  }
0xcc: {  	_ =	sfence.sel $0xFFFF  }
0xcd: {  	[dreg:$0x0] =	wrdreg $0xFFFFFFFF;
	(pc) =	sbr.abs _section_cstart, $3  }
0xce: {  	[dreg:$0x1] =	wrdreg $0xFFFFFFFF  }
0xcf: {  	_ =	task.clear_ibuf [dreg:s22], $0x2FFFF;
	_ =	strace $0x9FFFFFFF  }
0xd0: {  	(tm) =	ssettm $0x7FFFFFFF  }
0xd1: {  	_ =	shalt  }
tec
execute0_lowered:
.L_overlay_start_1:
0x0: {  	(tag) =	ssettag $0x1  }
0x1: {  	s1 =	srdreg.scid  }
0x2: {  	s0 =	stileid.u32;
	s5 =	rddreg [dreg:$0x0];
	s2 =	simm.s32 $0x0  }
0x3: {  	s11 =	simm.s32 $0xD00;
	s12 =	simm.s32 $0x2D00;
	s13 =	simm.s32 $0x1  }
0x4: {  	s14 =	simm.s32 $0x100;
	s15 =	simm.s32 $0x4D00;
	s16 =	simm.s32 $0x180  }
0x5: {  	s17 =	simm.s32 $0x6D00;
	s18 =	simm.s32 $0x2;
	s4 =	sand.u32 $0x1, s1  }
0x6: {  	s28 =	sshll.u32 s0, $0x1;
	s1 =	rddreg [dreg:$0x1];
	s8 =	smul.u32 $0x68000, s0  }
0x7: {  	s3 =	sor.u32 s4, s28;
	s9 =	ssub.s32 $0x2, s4;
	s4 =	smul.u32 $0x34000, s4  }
0x8: {  	s19 =	simm.s32 $0x0;
	[smem:$0x7FF] =	sst s2;
	s6 =	smul.u32 $0x1A0, s3  }
0x9: {  	s10 =	sadd.s32 $0x10CA00, s5;
	s7 =	smul.u32 $0x34000, s3;
	s29 =	sshrl.u32 s9, $0x1  }
0xa: {  	_ =	strace $0x8000004A;
	s3 =	sadd.s32 $0x6800, s5;
	s9 =	ssub.s32 s9, s29  }
0xb: {  	s31 =	sadd.s32 s4, s8;
	s6 =	sadd.s32 s6, s5;
	s30 =	sshrl.u32 s7, $0x3  }
0xc: {  	s8 =	sadd.s32 $0x4000, s31;
	s4 =	sadd.s32 $0x109600, s6;
	s5 =	sadd.s32 s10, s30  }
0xd: {  	s6 =	smax.u32 s9, $0x1;
	s8 =	sshrl.u32 s8, $0x3;
	s9 =	simm.s32 $0x3  }
0xe: {  	s7 =	sadd.s32 $0x400, s5;
	s8 =	sadd.s32 s8, s10;
	s10 =	simm.s32 $0x80  }
.LBB2_1:
0xf: {  	[tilespmem:s2], [sflag:$0x3] =	stream.linear.gather [hbm4b:s4+s2], $0xD00, $0x38;
	[tilespmem:$0x8D00] =	vst v63  }
0x10: {  	_ =	swait.ge [sflag:s9], $0xD00  }
0x11: {  	[sflag:s9] =	ssyncset.done $0x0  }
0x12: {  	[sflag:s9] =	ssyncadd.s32 $0xFFFFF300  }
0x13: {  	[tilespmem:s11], [sflag:$0x1] =	stream.indirect.gather [hbm4b:s3+s10], $0x40, s2, s10, $0xb8;
	[tilespmem:$0x8D00] =	vst v63  }
0x14: {  	_ = 	snop  }
0x15: {  	[tilespmem:s12], [sflag:$0x1] =	stream.indirect.gather [hbm4b:s3+s10], $0x40, s10, s10, $0xb8;
	[tilespmem:$0x8D00] =	vst v63  }
0x16: {  	_ =	swait.ge [sflag:s13], $0x2000  }
0x17: {  	[sflag:s13] =	ssyncset.done $0x0  }
0x18: {  	[sflag:s13] =	ssyncadd.s32 $0xFFFFE000  }
0x19: {  	[hbm4b:s5+s2] =	stream.linear.scatter [tilespmem:s11], [sflag:$0x2], $0x2000, $0x38;
	[tilespmem:$0x8D00] =	vst v63  }
0x1a: {  	_ = 	snop  }
0x1b: {  	[tilespmem:s15], [sflag:$0x1] =	stream.indirect.gather [hbm4b:s3+s10], $0x40, s14, s10, $0xb8;
	[tilespmem:$0x8D00] =	vst v63  }
0x1c: {  	_ =	swait.ge [sflag:s13], $0x2000  }
0x1d: {  	[sflag:s13] =	ssyncset.done $0x0  }
0x1e: {  	[sflag:s13] =	ssyncadd.s32 $0xFFFFE000  }
0x1f: {  	[hbm4b:s7+s2] =	stream.linear.scatter [tilespmem:s12], [sflag:$0x2], $0x2000, $0x38;
	[tilespmem:$0x8D00] =	vst v63  }
0x20: {  	s23 =	simm.s32 $0x20000;
	s21 =	simm.s32 $0x10000;
	s20 =	simm.s32 $0x200  }
0x21: {  	[tilespmem:s17], [sflag:$0x1] =	stream.indirect.gather [hbm4b:s3+s10], $0x40, s16, s10, $0xb8;
	[tilespmem:$0x8D00] =	vst v63  }
0x22: {  	p0 =	por $0x0, $0x0;
	s22 =	sand.u32 $0x18000, s21;
	_ =	swait.ge [sflag:s13], $0x2000  }
0x23: {  	s21 =	simm.s32 $0x3;
	s24 =	sshrl.u32 s22, $0x2;
	[sflag:s13] =	ssyncset.done $0x0  }
0x24: {  	s26 =	simm.s32 @!p0 $0x80;
	s24 =	sor.u32 $0xD00, s24;
	[sflag:s13] =	ssyncadd.s32 $0xFFFFE000  }
0x25: {  	[hbm4b:s8+s2] =	stream.linear.scatter [tilespmem:s24], [sflag:$0x2], $0x2000, $0x38;
	[tilespmem:$0x8D00] =	vst v63  }
0x26: {  	s22 =	simm.s32 $0x280;
	s24 =	sand.u32 @!p0 $0x18000, s23;
	_ =	swait.ge [sflag:s18], $0x2000  }
0x27: {  	s23 =	simm.s32 $0x28000;
	s25 =	sshrl.u32 @!p0 s24, $0x2;
	[sflag:s18] =	ssyncset.done $0x0  }
0x28: {  	s24 =	sadd.s32 $0x400, s8;
	s25 =	sor.u32 @!p0 $0xD00, s25;
	[sflag:s18] =	ssyncadd.s32 $0xFFFFE000  }
.LBB2_2:
0x29: {  	[tilespmem:s25], [sflag:$0x1] =	stream.indirect.gather @!p0 [hbm4b:s3+s26], $0x40, s20, s26, $0xb8;
	[tilespmem:$0x8D00] =	vst v63  }
0x2a: {  	s25 =	smov.u32 s21;
	s20 =	smov.u32 s22  }
0x2b: {  	s26 =	sadd.s32 $0xFFFF0000, s23;
	s21 =	sadd.s32 $0x1, s21;
	_ =	swait.ge [sflag:s13], $0x2000  }
0x2c: {  	s26 =	sand.u32 $0x18000, s26;
	p1 =	sne.s32 s21, $0x1A;
	[sflag:s13] =	ssyncset.done $0x0  }
0x2d: {  	s22 =	sadd.s32 $0x80, s22;
	s26 =	sshrl.u32 s26, $0x2;
	[sflag:s13] =	ssyncadd.s32 $0xFFFFE000  }
.Ltmp0:
0x2e: {  	p0 =	sgt.u32 s25, $0x17;
	s26 =	sor.u32 $0xD00, s26;
	(pc) =	sbr.rel @p1 .LBB2_2-.Ltmp0, $4  }
0x2f: {  	[hbm4b:s24+s2] =	stream.linear.scatter [tilespmem:s26], [sflag:$0x2], $0x2000, $0x38;
	[tilespmem:$0x8D00] =	vst v63  }
0x30: {  	s25 =	sand.u32 @!p0 $0x18000, s23;
	s23 =	sadd.s32 $0x8000, s23;
	_ =	swait.ge [sflag:s18], $0x2000  }
0x31: {  	s25 =	sshrl.u32 @!p0 s25, $0x2;
	s24 =	sadd.s32 $0x400, s24;
	[sflag:s18] =	ssyncset.done $0x0  }
0x32: {  	s25 =	sor.u32 @!p0 $0xD00, s25;
	s26 =	simm.s32 @!p0 $0x80;
	[sflag:s18] =	ssyncadd.s32 $0xFFFFE000  }
0x33: {  	[tilespmem:s25], [sflag:$0x1] =	stream.indirect.gather @!p0 [hbm4b:s3+s26], $0x40, s20, s26, $0xb8;
	[tilespmem:$0x8D00] =	vst v63  }
0x34: {  	s19 =	sadd.s32 $0x1, s19  }
0x35: {  	_ =	swait.ge [sflag:s18], $0x2000;
	p0 =	sne.s32 s19, s6  }
.Ltmp1:
0x36: {  	[sflag:s18] =	ssyncset.done $0x0;
	(pc) =	sbr.rel @p0 .LBB2_1-.Ltmp1, $4  }
0x37: {  	[sflag:s18] =	ssyncadd.s32 $0xFFFFE000  }
0x38: {  	_ =	swait.ge [sflag:s18], $0x2000  }
0x39: {  	[sflag:s18] =	ssyncset.done $0x0  }
0x3a: {  	[sflag:s18] =	ssyncadd.s32 $0xFFFFE000  }
0x3b: {  	_ =	sfence.sel $0x180000  }
0x3c: {  	[bflag:$0x0] =	sbarrier.arrive $0xFFFF  }
0x3d: {  	p0 =	sne.s32 s0, $0x0;
	_ =	strace $0x9000004A  }
0x3e: {  	s0 =	sadd.s32 @!p0 $0x100000, s1;
	[bflag:$0x2] =	sbarrier.arrive $0xFFFF  }
0x3f: {  	[sflag:s0] =	ssyncadd.tile.s32 @!p0 $0x1;
	_ =	shalt  }
.Lfunc_end2:
_tile_overlayer_lowered:
.L_overlay_start_2:
0x40: {  	(tag) =	ssettag $0x2  }
0x41: {  	s0 =	rddreg [dreg:$0x0];
	s2 =	stileid.u32  }
0x42: {  	s1 =	rddreg [dreg:$0x1];
	p0 =	sne.s32 s2, $0x0  }
0x43: {  	s3 =	rddreg [dreg:$0x2];
	[bflag:$0x3] =	sbarrier.arrive $0xFFFF;
	s2 =	simm.s32 @!p0 $0x1C03  }
0x44: {  	[timem:s3], [sflag:s2] =	dma.local @!p0 [hbm:s0], s1  }
0x45: {  	s0 =	simm.s32 @!p0 $0x3  }
0x46: {  	_ =	swait.ge @!p0 [sflag:s0], s1  }
0x47: {  	s1 =	ssub.s32 @!p0 $0x0, s1;
	[sflag:s0] =	ssyncset.done @!p0 $0x0  }
0x48: {  	[sflag:s0] =	ssyncadd.s32 @!p0 s1  }
0x49: {  	[bflag:$0x3] =	sbarrier.arrive $0xFFFF  }
0x4a: {  	_ =	shalt  }

// kernel: kernel.19.cloned.1.call-start
scs
__scs_entry_jumppad:
0x0: {  	(pc) =	sbr.rel $0x88, $3  }
0x1: {  	(tag) =	ssettag $0x0;
	lr =	simm.s32 $0x1  }
0x2: {  	[smem:$0x3F98] =	sst lr;
	_ =	strace $0xD0000000  }
0x3: {  	_ = 	snop  }
0x4: {  	_ = 	snop  }
0x5: {  	_ = 	snop  }
0x6: {  	_ = 	snop  }
0x7: {  	_ = 	snop  }
__scs_overlays_trampoline_lowered:
0x8: {  	[smem:$0x3FA7] =	sst s0  }
0x9: {  	[smem:$0x3FA8] =	sst s1  }
0xa: {  	[smem:$0x3FA9] =	sst s2  }
0xb: {  	[smem:$0x3FAA] =	sst s3  }
0xc: {  	[smem:$0x3FAB] =	sst s4  }
0xd: {  	[smem:$0x3FAC] =	sst s5  }
0xe: {  	[smem:$0x3FAD] =	sst s6  }
0xf: {  	[smem:$0x3FAE] =	sst s7  }
0x10: {  	[smem:$0x3FAF] =	sst s8  }
0x11: {  	[smem:$0x3FB0] =	sst s9;
	s0 =	simm.s32 @!p0 $0x0  }
0x12: {  	s1 =	sld [smem:$0x3F96];
	s0 =	simm.s32 @p0 $0x1  }
0x13: {  	[smem:$0x3FB1] =	sst s0;
	s0 =	simm.s32 @!p1 $0x0  }
0x14: {  	s2 =	sld [smem:$0x3F95];
	s0 =	simm.s32 @p1 $0x1  }
0x15: {  	[smem:$0x3FB2] =	sst s0;
	s0 =	simm.s32 @!p2 $0x0  }
0x16: {  	s3 =	sld [smem:$0x3FDB];
	s0 =	simm.s32 @p2 $0x1  }
0x17: {  	s4 =	simm.s32 $0x1BF5;
	[smem:$0x3FB4] =	sst s0  }
0x18: {  	s0 =	sld [smem:$0x3F97];
	_ =	swait.ge [sflag:s4], $0x0  }
0x19: {  	s7 =	sld [smem:$0x3F98]  }
0x1a: {  	s8 =	sadd.s32 $0xFFFFE003, lr  }
0x1b: {  	s9 =	sadd.s32 $0xFFFFFEF7, lr;
	s5 =	simm.s32 $0xFFFFFFFF;
	p2 =	slt.u32 s8, $0xFFFFF086  }
0x1c: {  	p1 =	slt.u32 s9, $0xF7A;
	s5 =	simm.s32 @!p2 $0x0  }
0x1d: {  	s5 =	simm.s32 @p1 $0x1;
	p0 =	seq.s32 s7, s2  }
0x1e: {  	s7 =	smul.u32 @!p0 $0xF7A, s2;
	p2 =	seq.s32 @!p0 s5, $0x0  }
0x1f: {  	s9 =	smul.u32 $0xF7A, s1;
	s8 =	simm.s32 @!p0 $0x1BF5;
	p2 =	por !p2, p0  }
0x20: {  	[sflag:s8] =	ssyncset.s32 @!p0 $0xFFFFF086;
	s6 =	sadd.s32 @!p0 s3, s7;
	s7 =	simm.s32 @!p0 $0x108  }
0x21: {  	s3 =	sadd.s32 s3, s9;
	s6 =	sadd.s32 @!p0 $0x88, s6;
	s7 =	simm.s32 @p2 $0x1082  }
0x22: {  	[simem:s7], [sflag:s8] =	dma.local @!p0 [hbm:s6], $0xF7A  }
0x23: {  	s9 =	sor.u32 $0xD0000000, s2;
	s6 =	simm.s32 $0x108;
	_ =	swait.ge @!p0 [sflag:s8], $0x0  }
0x24: {  	s3 =	sadd.s32 $0x88, s3;
	s6 =	simm.s32 @!p1 $0x1082;
	[sflag:s4] =	ssyncset.s32 $0xFFFFF086  }
0x25: {  	[simem:s6], [sflag:s4] =	dma.local [hbm:s3], $0xF7A  }
0x26: {  	[smem:$0x3F98] =	sst s1;
	(tag) =	ssettag s2;
	_ =	strace s9  }
0x27: {  	s1 =	sld [smem:$0x3FA8]  }
0x28: {  	s2 =	sld [smem:$0x3FA9]  }
0x29: {  	s4 =	sld [smem:$0x3FAB]  }
0x2a: {  	p0 =	seq.s32 s5, $0x0;
	s5 =	sld [smem:$0x3FAC]  }
0x2b: {  	s6 =	sld [smem:$0x3FAD]  }
0x2c: {  	s7 =	sld [smem:$0x3FAE]  }
0x2d: {  	s3 =	simm.s32 $0x108;
	s8 =	sld [smem:$0x3FAF]  }
0x2e: {  	s3 =	simm.s32 @!p0 $0x1082;
	s9 =	sld [smem:$0x3FB0]  }
0x2f: {  	lr =	sadd.s32 s0, s3;
	s0 =	sld [smem:$0x3FA7]  }
0x30: {  	s3 =	sld [smem:$0x3FAA]  }
0x31: {  	[smem:$0x3FB3] =	sst s10  }
0x32: {  	s10 =	sld [smem:$0x3FB1];
	_ =	sdelay $0x3  }
0x33: {  	p0 =	seq.s32 s10, $0x1;
	s10 =	sld [smem:$0x3FB3];
	_ =	sdelay $0x3  }
0x34: {  	[smem:$0x3FB3] =	sst s10  }
0x35: {  	s10 =	sld [smem:$0x3FB2];
	_ =	sdelay $0x3  }
0x36: {  	p1 =	seq.s32 s10, $0x1;
	s10 =	sld [smem:$0x3FB3];
	_ =	sdelay $0x3  }
0x37: {  	[smem:$0x3FB3] =	sst s10  }
0x38: {  	s10 =	sld [smem:$0x3FB4]  }
0x39: {  	_ = 	snop;
	(pc) =	sbr.ind lr, $3  }
0x3a: {  	_ = 	snop  }
0x3b: {  	_ = 	snop  }
0x3c: {  	p2 =	seq.s32 s10, $0x1;
	s10 =	sld [smem:$0x3FB3]  }
0x3d: {  	_ =	shalt  }
0x3e: {  	_ =	shalt  }
0x3f: {  	_ =	shalt  }
0x40: {  	_ =	shalt  }
0x41: {  	_ =	shalt  }
0x42: {  	_ =	shalt  }
0x43: {  	_ =	shalt  }
0x44: {  	_ =	shalt  }
0x45: {  	_ =	shalt  }
0x46: {  	_ =	shalt  }
0x47: {  	_ =	shalt  }
0x48: {  	_ =	shalt  }
0x49: {  	_ =	shalt  }
0x4a: {  	_ =	shalt  }
0x4b: {  	_ =	shalt  }
0x4c: {  	_ =	shalt  }
0x4d: {  	_ =	shalt  }
0x4e: {  	_ =	shalt  }
0x4f: {  	_ =	shalt  }
0x50: {  	_ =	shalt  }
0x51: {  	_ =	shalt  }
0x52: {  	_ =	shalt  }
0x53: {  	_ =	shalt  }
0x54: {  	_ =	shalt  }
0x55: {  	_ =	shalt  }
0x56: {  	_ =	shalt  }
0x57: {  	_ =	shalt  }
0x58: {  	_ =	shalt  }
0x59: {  	_ =	shalt  }
0x5a: {  	_ =	shalt  }
0x5b: {  	_ =	shalt  }
0x5c: {  	_ =	shalt  }
0x5d: {  	_ =	shalt  }
0x5e: {  	_ =	shalt  }
0x5f: {  	_ =	shalt  }
0x60: {  	_ =	shalt  }
0x61: {  	_ =	shalt  }
0x62: {  	_ =	shalt  }
0x63: {  	_ =	shalt  }
0x64: {  	_ =	shalt  }
0x65: {  	_ =	shalt  }
0x66: {  	_ =	shalt  }
0x67: {  	_ =	shalt  }
0x68: {  	_ =	shalt  }
0x69: {  	_ =	shalt  }
0x6a: {  	_ =	shalt  }
0x6b: {  	_ =	shalt  }
0x6c: {  	_ =	shalt  }
0x6d: {  	_ =	shalt  }
0x6e: {  	_ =	shalt  }
0x6f: {  	_ =	shalt  }
0x70: {  	_ =	shalt  }
0x71: {  	_ =	shalt  }
0x72: {  	_ =	shalt  }
0x73: {  	_ =	shalt  }
0x74: {  	_ =	shalt  }
0x75: {  	_ =	shalt  }
0x76: {  	_ =	shalt  }
0x77: {  	_ =	shalt  }
0x78: {  	_ =	shalt  }
0x79: {  	_ =	shalt  }
0x7a: {  	_ =	shalt  }
0x7b: {  	_ =	shalt  }
0x7c: {  	_ =	shalt  }
0x7d: {  	_ =	shalt  }
0x7e: {  	_ =	shalt  }
0x7f: {  	_ =	shalt  }
0x80: {  	_ =	shalt  }
0x81: {  	_ =	shalt  }
0x82: {  	_ =	shalt  }
0x83: {  	_ =	shalt  }
0x84: {  	_ =	shalt  }
0x85: {  	_ =	shalt  }
0x86: {  	_ =	shalt  }
0x87: {  	_ =	shalt  }
.Lfunc_end0:
.L_simem_size_0:
called_computation.3_lowered:
.L_overlay_start_0:
0x88: {  	s2 =	sld [smem:$0x3FD9]  }
0x89: {  	s3 =	sld [smem:$0x3FFE];
	_ =	sdelay $0x1  }
0x8a: {  	s1 =	srdreg.scid  }
0x8b: {  	s0 =	sand.u32 $0x1, s1  }
0x8c: {  	s16 =	sshll.u32 s0, $0xA;
	s2 =	sadd.s32 s3, s2  }
0x8d: {  	s2 =	sadd.s32 s2, s16  }
0x8e: {  	[smem:$0x3FBF] =	sst s2  }
0x8f: {  	_ = 	snop  }
0x90: {  	(tm) =	ssettm $0x1  }
0x91: {  	s17 =	sld [smem:$0x3FFB];
	_ =	sdelay $0x3  }
0x92: {  	_ =	strace s17  }
0x93: {  	s2 =	sld [smem:$0x3FFC];
	_ =	sdelay $0x3  }
0x94: {  	_ =	strace s2  }
0x95: {  	s2 =	sld [smem:$0x3FFD];
	_ =	sdelay $0x3  }
0x96: {  	_ =	strace s2  }
0x97: {  	_ =	strace $0x8FFFFFFF  }
0x98: {  	s18 =	sld [smem:$0x3FDB];
	_ =	sdelay $0x1  }
0x99: {  	s19 =	simm.s32 $_scs_section_size  }
0x9a: {  	s4 =	simm.s32 $_size__tile_overlayer_lowered;
	s5 =	simm.s32 $_tile_overlayer_lowered  }
0x9b: {  	s22 =	simm.s32 $0x1BFF;
	s21 =	sshll.u32 s5, $0x1;
	s2 =	sadd.s32 s19, s18  }
0x9c: {  	s6 =	simm.s32 $0x0;
	s20 =	sshll.u32 s4, $0x1;
	s4 =	sadd.s32 s21, s2  }
0x9d: {  	[timem:s6], [sflag:s22] =	dma.local [hbm:s4], s20  }
0x9e: {  	_ =	swait.ge [sflag:s22], s20  }
0x9f: {  	s3 =	ssub.s32 $0x0, s20;
	[sflag:s22] =	ssyncset.done $0x0  }
0xa0: {  	[sflag:s22] =	ssyncadd.s32 s3;
	_ =	sdelay $0x1  }
0xa1: {  	s23 =	simm.s32 $0x1B8B  }
0xa2: {  	_ =	swait.ge [sflag:s23], $0x1  }
0xa3: {  	[sflag:s23] =	ssyncset.done $0x0  }
0xa4: {  	s25 =	simm.s32 $0x1B8E;
	s24 =	sld [smem:$0x3FFE];
	[sflag:s23] =	ssyncadd.s32 $0xFFFFFFFF  }
0xa5: {  	s26 =	simm.s32 $execute0_lowered;
	[smem:$0x3FD2] =	sst s25  }
0xa6: {  	s4 =	sshll.u32 s26, $0x1;
	_ =	strace $0x80000046;
	[dreg:$0x1] =	wrdreg $0xFFFFFFFF  }
0xa7: {  	s28 =	simm.s32 $_size_execute0_lowered;
	s2 =	sadd.s32 s2, s4;
	[dreg:$0x0] =	wrdreg $0x0  }
0xa8: {  	s4 =	sshll.u32 s28, $0x1;
	[dreg:$0x2] =	wrdreg s2  }
0xa9: {  	[dreg:$0x3] =	wrdreg s4  }
0xaa: {  	[dreg:$0x4] =	wrdreg $0xC0  }
0xab: {  	_ =	task [dreg:s6], $0x5FFFF  }
0xac: {  	[dreg:$0x1] =	wrdreg $0xFFFFFFFF  }
0xad: {  	[dreg:$0x0] =	wrdreg $0x60  }
0xae: {  	[dreg:$0x2] =	wrdreg s24  }
0xaf: {  	[dreg:$0x3] =	wrdreg $0xC  }
0xb0: {  	_ =	task.clear_ibuf [dreg:s6], $0x4FFFF;
	_ =	strace $0x90000046  }
0xb1: {  	s29 =	simm.s32 $0xC;
	_ =	strace $0x80000048  }
0xb2: {  	_ =	swait.ge [sflag:s29], $0x1  }
0xb3: {  	[sflag:s29] =	ssyncadd.s32 $0xFFFFFFFF  }
0xb4: {  	_ =	strace $0x90000048  }
0xb5: {  	_ =	sfence  }
0xb6: {  	s30 =	sld [smem:$0x0];
	_ =	sdelay $0x2  }
0xb7: {  	s31 =	sshll.u32 s1, $0xD;
	s1 =	sshrl.u32 s1, $0x2  }
0xb8: {  	s3 =	sand.u32 $0x4000, s31;
	s1 =	sadd.s32 s1, s30  }
0xb9: {  	s0 =	sor.u32 s3, s0;
	s1 =	sshll.u32 s1, $0x11  }
0xba: {  	s0 =	sor.u32 s1, s0  }
0xbb: {  	s0 =	sadd.s32 $0x8F2B, s0  }
0xbc: {  	[sflag:s0] =	ssyncadd.remote.s32 $0x1  }
0xbd: {  	_ =	sfence.sel $0xFFFF  }
0xbe: {  	[dreg:$0x0] =	wrdreg $0xFFFFFFFF;
	(pc) =	sbr.abs _section_cstart, $3  }
0xbf: {  	[dreg:$0x1] =	wrdreg $0xFFFFFFFF  }
0xc0: {  	_ =	task.clear_ibuf [dreg:s6], $0x2FFFF;
	_ =	strace $0x9FFFFFFF  }
0xc1: {  	(tm) =	ssettm $0x7FFFFFFF  }
tec
execute0_lowered:
.L_overlay_start_1:
0x0: {  	(tag) =	ssettag $0x1  }
0x1: {  	s1 =	srdreg.scid  }
0x2: {  	s0 =	stileid.u32;
	s5 =	rddreg [dreg:$0x0];
	s2 =	simm.s32 $0x0  }
0x3: {  	s11 =	simm.s32 $0xD00;
	s12 =	simm.s32 $0x2D00;
	s13 =	simm.s32 $0x1  }
0x4: {  	s14 =	simm.s32 $0x100;
	s15 =	simm.s32 $0x4D00;
	s16 =	simm.s32 $0x180  }
0x5: {  	s17 =	simm.s32 $0x6D00;
	s18 =	simm.s32 $0x2;
	s4 =	sand.u32 $0x1, s1  }
0x6: {  	s28 =	sshll.u32 s0, $0x1;
	s1 =	rddreg [dreg:$0x1];
	s8 =	smul.u32 $0x68000, s0  }
0x7: {  	s3 =	sor.u32 s4, s28;
	s9 =	ssub.s32 $0x2, s4;
	s4 =	smul.u32 $0x34000, s4  }
0x8: {  	s19 =	simm.s32 $0x0;
	[smem:$0x7FF] =	sst s2;
	s6 =	smul.u32 $0x1A0, s3  }
0x9: {  	s10 =	sadd.s32 $0x39600, s5;
	s7 =	smul.u32 $0x34000, s3;
	s29 =	sshrl.u32 s9, $0x1  }
0xa: {  	_ =	strace $0x80000047;
	s3 =	sadd.s32 $0x6800, s5;
	s9 =	ssub.s32 s9, s29  }
0xb: {  	s31 =	sadd.s32 s4, s8;
	s6 =	sadd.s32 s6, s5;
	s30 =	sshrl.u32 s7, $0x3  }
0xc: {  	s8 =	sadd.s32 $0x4000, s31;
	s4 =	sadd.s32 $0x3400, s6;
	s5 =	sadd.s32 s10, s30  }
0xd: {  	s6 =	smax.u32 s9, $0x1;
	s8 =	sshrl.u32 s8, $0x3;
	s9 =	simm.s32 $0x3  }
0xe: {  	s7 =	sadd.s32 $0x400, s5;
	s8 =	sadd.s32 s8, s10;
	s10 =	simm.s32 $0x80  }
.LBB2_1:
0xf: {  	[tilespmem:s2], [sflag:$0x3] =	stream.linear.gather [hbm4b:s4+s2], $0xD00, $0x38;
	[tilespmem:$0x8D00] =	vst v63  }
0x10: {  	_ =	swait.ge [sflag:s9], $0xD00  }
0x11: {  	[sflag:s9] =	ssyncset.done $0x0  }
0x12: {  	[sflag:s9] =	ssyncadd.s32 $0xFFFFF300  }
0x13: {  	[tilespmem:s11], [sflag:$0x1] =	stream.indirect.gather [hbm4b:s3+s10], $0x40, s2, s10, $0xb8;
	[tilespmem:$0x8D00] =	vst v63  }
0x14: {  	_ = 	snop  }
0x15: {  	[tilespmem:s12], [sflag:$0x1] =	stream.indirect.gather [hbm4b:s3+s10], $0x40, s10, s10, $0xb8;
	[tilespmem:$0x8D00] =	vst v63  }
0x16: {  	_ =	swait.ge [sflag:s13], $0x2000  }
0x17: {  	[sflag:s13] =	ssyncset.done $0x0  }
0x18: {  	[sflag:s13] =	ssyncadd.s32 $0xFFFFE000  }
0x19: {  	[hbm4b:s5+s2] =	stream.linear.scatter [tilespmem:s11], [sflag:$0x2], $0x2000, $0x38;
	[tilespmem:$0x8D00] =	vst v63  }
0x1a: {  	_ = 	snop  }
0x1b: {  	[tilespmem:s15], [sflag:$0x1] =	stream.indirect.gather [hbm4b:s3+s10], $0x40, s14, s10, $0xb8;
	[tilespmem:$0x8D00] =	vst v63  }
0x1c: {  	_ =	swait.ge [sflag:s13], $0x2000  }
0x1d: {  	[sflag:s13] =	ssyncset.done $0x0  }
0x1e: {  	[sflag:s13] =	ssyncadd.s32 $0xFFFFE000  }
0x1f: {  	[hbm4b:s7+s2] =	stream.linear.scatter [tilespmem:s12], [sflag:$0x2], $0x2000, $0x38;
	[tilespmem:$0x8D00] =	vst v63  }
0x20: {  	s23 =	simm.s32 $0x20000;
	s21 =	simm.s32 $0x10000;
	s20 =	simm.s32 $0x200  }
0x21: {  	[tilespmem:s17], [sflag:$0x1] =	stream.indirect.gather [hbm4b:s3+s10], $0x40, s16, s10, $0xb8;
	[tilespmem:$0x8D00] =	vst v63  }
0x22: {  	p0 =	por $0x0, $0x0;
	s22 =	sand.u32 $0x18000, s21;
	_ =	swait.ge [sflag:s13], $0x2000  }
0x23: {  	s21 =	simm.s32 $0x3;
	s24 =	sshrl.u32 s22, $0x2;
	[sflag:s13] =	ssyncset.done $0x0  }
0x24: {  	s26 =	simm.s32 @!p0 $0x80;
	s24 =	sor.u32 $0xD00, s24;
	[sflag:s13] =	ssyncadd.s32 $0xFFFFE000  }
0x25: {  	[hbm4b:s8+s2] =	stream.linear.scatter [tilespmem:s24], [sflag:$0x2], $0x2000, $0x38;
	[tilespmem:$0x8D00] =	vst v63  }
0x26: {  	s22 =	simm.s32 $0x280;
	s24 =	sand.u32 @!p0 $0x18000, s23;
	_ =	swait.ge [sflag:s18], $0x2000  }
0x27: {  	s23 =	simm.s32 $0x28000;
	s25 =	sshrl.u32 @!p0 s24, $0x2;
	[sflag:s18] =	ssyncset.done $0x0  }
0x28: {  	s24 =	sadd.s32 $0x400, s8;
	s25 =	sor.u32 @!p0 $0xD00, s25;
	[sflag:s18] =	ssyncadd.s32 $0xFFFFE000  }
.LBB2_2:
0x29: {  	[tilespmem:s25], [sflag:$0x1] =	stream.indirect.gather @!p0 [hbm4b:s3+s26], $0x40, s20, s26, $0xb8;
	[tilespmem:$0x8D00] =	vst v63  }
0x2a: {  	s25 =	smov.u32 s21;
	s20 =	smov.u32 s22  }
0x2b: {  	s26 =	sadd.s32 $0xFFFF0000, s23;
	s21 =	sadd.s32 $0x1, s21;
	_ =	swait.ge [sflag:s13], $0x2000  }
0x2c: {  	s26 =	sand.u32 $0x18000, s26;
	p1 =	sne.s32 s21, $0x1A;
	[sflag:s13] =	ssyncset.done $0x0  }
0x2d: {  	s22 =	sadd.s32 $0x80, s22;
	s26 =	sshrl.u32 s26, $0x2;
	[sflag:s13] =	ssyncadd.s32 $0xFFFFE000  }
.Ltmp0:
0x2e: {  	p0 =	sgt.u32 s25, $0x17;
	s26 =	sor.u32 $0xD00, s26;
	(pc) =	sbr.rel @p1 .LBB2_2-.Ltmp0, $4  }
0x2f: {  	[hbm4b:s24+s2] =	stream.linear.scatter [tilespmem:s26], [sflag:$0x2], $0x2000, $0x38;
	[tilespmem:$0x8D00] =	vst v63  }
0x30: {  	s25 =	sand.u32 @!p0 $0x18000, s23;
	s23 =	sadd.s32 $0x8000, s23;
	_ =	swait.ge [sflag:s18], $0x2000  }
0x31: {  	s25 =	sshrl.u32 @!p0 s25, $0x2;
	s24 =	sadd.s32 $0x400, s24;
	[sflag:s18] =	ssyncset.done $0x0  }
0x32: {  	s25 =	sor.u32 @!p0 $0xD00, s25;
	s26 =	simm.s32 @!p0 $0x80;
	[sflag:s18] =	ssyncadd.s32 $0xFFFFE000  }
0x33: {  	[tilespmem:s25], [sflag:$0x1] =	stream.indirect.gather @!p0 [hbm4b:s3+s26], $0x40, s20, s26, $0xb8;
	[tilespmem:$0x8D00] =	vst v63  }
0x34: {  	s19 =	sadd.s32 $0x1, s19  }
0x35: {  	_ =	swait.ge [sflag:s18], $0x2000;
	p0 =	sne.s32 s19, s6  }
.Ltmp1:
0x36: {  	[sflag:s18] =	ssyncset.done $0x0;
	(pc) =	sbr.rel @p0 .LBB2_1-.Ltmp1, $4  }
0x37: {  	[sflag:s18] =	ssyncadd.s32 $0xFFFFE000  }
0x38: {  	_ =	swait.ge [sflag:s18], $0x2000  }
0x39: {  	[sflag:s18] =	ssyncset.done $0x0  }
0x3a: {  	[sflag:s18] =	ssyncadd.s32 $0xFFFFE000  }
0x3b: {  	_ =	sfence.sel $0x180000  }
0x3c: {  	[bflag:$0x0] =	sbarrier.arrive $0xFFFF  }
0x3d: {  	p0 =	sne.s32 s0, $0x0;
	_ =	strace $0x90000047  }
0x3e: {  	s0 =	sadd.s32 @!p0 $0x100000, s1;
	[bflag:$0x2] =	sbarrier.arrive $0xFFFF  }
0x3f: {  	[sflag:s0] =	ssyncadd.tile.s32 @!p0 $0x1;
	_ =	shalt  }
.Lfunc_end2:
_tile_overlayer_lowered:
.L_overlay_start_2:
0x40: {  	(tag) =	ssettag $0x2  }
0x41: {  	s0 =	rddreg [dreg:$0x0];
	s2 =	stileid.u32  }
0x42: {  	s1 =	rddreg [dreg:$0x1];
	p0 =	sne.s32 s2, $0x0  }
0x43: {  	s3 =	rddreg [dreg:$0x2];
	[bflag:$0x3] =	sbarrier.arrive $0xFFFF;
	s2 =	simm.s32 @!p0 $0x1C03  }
0x44: {  	[timem:s3], [sflag:s2] =	dma.local @!p0 [hbm:s0], s1  }
0x45: {  	s0 =	simm.s32 @!p0 $0x3  }
0x46: {  	_ =	swait.ge @!p0 [sflag:s0], s1  }
0x47: {  	s1 =	ssub.s32 @!p0 $0x0, s1;
	[sflag:s0] =	ssyncset.done @!p0 $0x0  }
0x48: {  	[sflag:s0] =	ssyncadd.s32 @!p0 s1  }
0x49: {  	[bflag:$0x3] =	sbarrier.arrive $0xFFFF  }
0x4a: {  	_ =	shalt  }

</sc_bundles>
